<compile_context>
chip_gen: v7x
topology: tpu7x:2x2x1
jax: 0.10.2.dev20260603
libtpu: 0.0.44.dev20260713+nightly
codegen_flags: <defaults>
</compile_context>

<pallas_src>
import jax
import jax.numpy as jnp
from jax import lax
from jax.experimental import pallas as pl
from jax.experimental.pallas import tpu as pltpu
from jax.experimental.pallas import tpu_sc as plsc

HIDDEN = 768
NUM_EXPERTS = 64
INTER = 64
N_TOKENS = 2048
ALPHA = 1.702
LIMIT = 7.0

_PREP_BLK = 256
_NW = 32
_TPW = N_TOKENS // _NW
_MLP_TILE = 128


def _prep_body(x_ref, scale_ref, gk_ref, gb_ref, t_ref, idx_ref, rank_ref,
               offs_ref, elo_ref, ehi_ref, run_ref):
    i = pl.program_id(0)

    @pl.when(i == 0)
    def _init():
        run_ref[...] = jnp.zeros_like(run_ref)

    xb = x_ref[...]
    ms = jnp.mean(xb * xb, axis=-1, keepdims=True)
    rms = jnp.sqrt(ms + 1e-5)
    t32 = (xb / rms) * scale_ref[...]
    tb = t32.astype(jnp.bfloat16)
    t_ref[...] = tb.astype(jnp.float32)
    g = jax.lax.dot_general(tb, gk_ref[...], (((1,), (0,)), ((), ())),
                            preferred_element_type=jnp.float32)
    g = (g.astype(jnp.bfloat16) + gb_ref[...]).astype(jnp.float32)
    gmax = jnp.max(g, axis=-1, keepdims=True)
    m = g - gmax
    iot = jax.lax.broadcasted_iota(jnp.int32, g.shape, 1)
    idx = jnp.min(jnp.where(m == 0.0, iot, NUM_EXPERTS),
                  axis=-1, keepdims=True)
    idx_ref[...] = idx

    is_mine = iot == idx
    onehot = is_mine.astype(jnp.int32)
    lr = jax.lax.broadcasted_iota(jnp.int32, (_PREP_BLK, _PREP_BLK), 0)
    lc = jax.lax.broadcasted_iota(jnp.int32, (_PREP_BLK, _PREP_BLK), 1)
    ltri = (lr >= lc).astype(jnp.bfloat16)
    c = jax.lax.dot_general(ltri, is_mine.astype(jnp.bfloat16),
                            (((1,), (0,)), ((), ())),
                            preferred_element_type=jnp.float32
                            ).astype(jnp.int32)
    run = run_ref[...]
    rank = jnp.sum(onehot * (run + c - 1), axis=-1, keepdims=True)
    rank_ref[...] = rank
    new_run = run + c[_PREP_BLK - 1:_PREP_BLK, :]
    run_ref[...] = new_run

    @pl.when(i == pl.num_programs(0) - 1)
    def _emit_offs():
        lanes = jax.lax.broadcasted_iota(jnp.int32, new_run.shape, 1)
        inc = new_run
        ss = 1
        while ss < NUM_EXPERTS:
            inc = inc + jnp.where(lanes >= ss, pltpu.roll(inc, ss, 1), 0)
            ss *= 2
        offs = inc - new_run
        ntile = N_TOKENS // _MLP_TILE
        r_lo = _MLP_TILE * jax.lax.broadcasted_iota(
            jnp.int32, (ntile, NUM_EXPERTS), 0)
        ends_b = jnp.broadcast_to(inc, (ntile, NUM_EXPERTS))
        elo = jnp.sum((ends_b <= r_lo).astype(jnp.int32), axis=-1,
                      keepdims=True)
        ehi = jnp.sum((ends_b <= r_lo + (_MLP_TILE - 1)).astype(jnp.int32),
                      axis=-1, keepdims=True)
        offs_ref[...] = offs
        elo_ref[...] = elo
        ehi_ref[...] = ehi


def _sc_scatter_body(t_hbm, idx_hbm, rank_hbm, offs_hbm, xs_hbm, pos_hbm,
                     off_v, eid_v, rank_v, pos_v, rows_v, sem, sem2):
    wid = lax.axis_index("s") * 2 + lax.axis_index("c")
    base = wid * _TPW
    rows_cp = pltpu.async_copy(t_hbm.at[pl.ds(base, _TPW)], rows_v, sem2)
    pltpu.sync_copy(offs_hbm, off_v)
    pltpu.sync_copy(idx_hbm.at[pl.ds(base, _TPW)], eid_v)
    pltpu.sync_copy(rank_hbm.at[pl.ds(base, _TPW)], rank_v)
    for k in range(_TPW // 16):
        e16 = eid_v[pl.ds(k * 16, 16)]
        o16 = plsc.load_gather(off_v, [e16])
        pos_v[pl.ds(k * 16, 16)] = o16 + rank_v[pl.ds(k * 16, 16)]
    pltpu.sync_copy(pos_v, pos_hbm.at[pl.ds(base, _TPW)])
    rows_cp.wait()
    pltpu.async_copy(rows_v, xs_hbm.at[pos_v], sem).wait()


def _sc_gather_body(os_hbm, pos_hbm, out_hbm, pos_v, rows_v, sem):
    wid = lax.axis_index("s") * 2 + lax.axis_index("c")
    base = wid * _TPW
    pltpu.sync_copy(pos_hbm.at[pl.ds(base, _TPW)], pos_v)
    pltpu.async_copy(os_hbm.at[pos_v], rows_v, sem).wait()
    pltpu.sync_copy(rows_v, out_hbm.at[pl.ds(base, _TPW)])


def _moe_body(sp_ref, xs_ref, w1_ref, b1_ref, w2_ref, b2_ref, out_ref):
    i = pl.program_id(0)
    r0 = i * _MLP_TILE
    ntile = N_TOKENS // _MLP_TILE
    e0 = sp_ref[NUM_EXPERTS + i]
    e1 = sp_ref[NUM_EXPERTS + ntile + i]
    xt = xs_ref[...].astype(jnp.bfloat16)
    rid = r0 + jax.lax.broadcasted_iota(jnp.int32, (_MLP_TILE, 1), 0)
    dr = jax.lax.broadcasted_iota(jnp.int32, (2 * INTER, INTER), 0)
    dc = jax.lax.broadcasted_iota(jnp.int32, (2 * INTER, INTER), 1)
    dg = (dr == 2 * dc).astype(jnp.bfloat16)
    dl = (dr == 2 * dc + 1).astype(jnp.bfloat16)
    out_ref[...] = jnp.zeros_like(out_ref)

    def expert_body(e, _):
        start = sp_ref[e]
        end = jnp.where(e == NUM_EXPERTS - 1, N_TOKENS,
                        sp_ref[jnp.minimum(e + 1, NUM_EXPERTS - 1)])
        h1 = jax.lax.dot_general(xt, w1_ref[e], (((1,), (1,)), ((), ())),
                                 preferred_element_type=jnp.float32)
        h1 = (h1 + b1_ref[e]).astype(jnp.bfloat16)
        glu = jax.lax.dot_general(h1, dg, (((1,), (0,)), ((), ())),
                                  preferred_element_type=jnp.float32)
        lin = jax.lax.dot_general(h1, dl, (((1,), (0,)), ((), ())),
                                  preferred_element_type=jnp.float32)
        glu = jnp.minimum(glu, LIMIT)
        lin = jnp.clip(lin, -LIMIT, LIMIT)
        sig = 1.0 / (1.0 + jnp.exp(-ALPHA * glu))
        act = (glu * sig * (lin + 1.0)).astype(jnp.bfloat16)
        h2 = jax.lax.dot_general(act, w2_ref[e], (((1,), (1,)), ((), ())),
                                 preferred_element_type=jnp.float32)
        h2 = h2 + b2_ref[e]
        msk = (rid >= start) & (rid < end)
        out_ref[...] += jnp.where(msk, h2, 0.0)
        return 0

    jax.lax.fori_loop(e0, e1 + 1, expert_body, 0)


def _sc_mesh():
    return plsc.VectorSubcoreMesh(core_axis_name="c", subcore_axis_name="s")


@jax.jit
def kernel(x, scale, gate_kernel, gate_bias, mlp1_weight, mlp1_bias,
           mlp2_weight, mlp2_bias):
    ntile = N_TOKENS // _MLP_TILE
    t, idx, rank, offs2d, elo, ehi = pl.pallas_call(
        _prep_body,
        grid=(N_TOKENS // _PREP_BLK,),
        in_specs=[
            pl.BlockSpec((_PREP_BLK, HIDDEN), lambda i: (i, 0)),
            pl.BlockSpec((1, HIDDEN), lambda i: (0, 0)),
            pl.BlockSpec((HIDDEN, NUM_EXPERTS), lambda i: (0, 0)),
            pl.BlockSpec((1, NUM_EXPERTS), lambda i: (0, 0)),
        ],
        out_specs=[
            pl.BlockSpec((_PREP_BLK, HIDDEN), lambda i: (i, 0)),
            pl.BlockSpec((_PREP_BLK, 1), lambda i: (i, 0)),
            pl.BlockSpec((_PREP_BLK, 1), lambda i: (i, 0)),
            pl.BlockSpec((1, NUM_EXPERTS), lambda i: (0, 0)),
            pl.BlockSpec((ntile, 1), lambda i: (0, 0)),
            pl.BlockSpec((ntile, 1), lambda i: (0, 0)),
        ],
        out_shape=[
            jax.ShapeDtypeStruct((N_TOKENS, HIDDEN), jnp.float32),
            jax.ShapeDtypeStruct((N_TOKENS, 1), jnp.int32),
            jax.ShapeDtypeStruct((N_TOKENS, 1), jnp.int32),
            jax.ShapeDtypeStruct((1, NUM_EXPERTS), jnp.int32),
            jax.ShapeDtypeStruct((ntile, 1), jnp.int32),
            jax.ShapeDtypeStruct((ntile, 1), jnp.int32),
        ],
        scratch_shapes=[pltpu.VMEM((1, NUM_EXPERTS), jnp.int32)],
    )(x, scale.reshape(1, HIDDEN), gate_kernel, gate_bias.reshape(1, NUM_EXPERTS))

    offs = offs2d.reshape(NUM_EXPERTS)
    xs, pos = pl.kernel(
        _sc_scatter_body,
        compiler_params=pltpu.CompilerParams(needs_layout_passes=False),
        out_type=[
            jax.ShapeDtypeStruct((N_TOKENS, HIDDEN), jnp.float32),
            jax.ShapeDtypeStruct((N_TOKENS,), jnp.int32),
        ],
        mesh=_sc_mesh(),
        scratch_types=[
            pltpu.VMEM((NUM_EXPERTS,), jnp.int32),
            pltpu.VMEM((_TPW,), jnp.int32),
            pltpu.VMEM((_TPW,), jnp.int32),
            pltpu.VMEM((_TPW,), jnp.int32),
            pltpu.VMEM((_TPW, HIDDEN), jnp.float32),
            pltpu.SemaphoreType.DMA,
            pltpu.SemaphoreType.DMA,
        ],
    )(t, idx.reshape(N_TOKENS), rank.reshape(N_TOKENS), offs)

    b1n = mlp1_bias.reshape(NUM_EXPERTS, 1, 2 * INTER)
    b2 = mlp2_bias.reshape(NUM_EXPERTS, 1, HIDDEN)
    sp = jnp.concatenate([offs, elo.reshape(ntile), ehi.reshape(ntile)])

    out_sorted = pl.pallas_call(
        _moe_body,
        grid_spec=pltpu.PrefetchScalarGridSpec(
            num_scalar_prefetch=1,
            grid=(ntile,),
            in_specs=[
                pl.BlockSpec((_MLP_TILE, HIDDEN), lambda i, s: (i, 0)),
                pl.BlockSpec((NUM_EXPERTS, 2 * INTER, HIDDEN),
                             lambda i, s: (0, 0, 0)),
                pl.BlockSpec((NUM_EXPERTS, 1, 2 * INTER),
                             lambda i, s: (0, 0, 0)),
                pl.BlockSpec((NUM_EXPERTS, HIDDEN, INTER),
                             lambda i, s: (0, 0, 0)),
                pl.BlockSpec((NUM_EXPERTS, 1, HIDDEN),
                             lambda i, s: (0, 0, 0)),
            ],
            out_specs=pl.BlockSpec((_MLP_TILE, HIDDEN), lambda i, s: (i, 0)),
        ),
        out_shape=jax.ShapeDtypeStruct((N_TOKENS, HIDDEN), jnp.float32),
    )(sp, xs, mlp1_weight, b1n, mlp2_weight, b2)

    moe = pl.kernel(
        _sc_gather_body,
        out_type=jax.ShapeDtypeStruct((N_TOKENS, HIDDEN), jnp.float32),
        mesh=_sc_mesh(),
        scratch_types=[
            pltpu.VMEM((_TPW,), jnp.int32),
            pltpu.VMEM((_TPW, HIDDEN), jnp.float32),
            pltpu.SemaphoreType.DMA,
        ],
    )(out_sorted, pos)

    return x + moe

# --- scband reference (transcript-rebuilt; emitter-appended) ---
"""Pipeline reference for scband-mlpblock-51445118272040 (READ-ONLY COPY).

The authoritative reference and input builder live on the scoring server;
editing this copy changes nothing except your own understanding.
"""

import jax, jax.numpy as jnp
import numpy as np

HIDDEN = 768
NUM_EXPERTS = 64
TOP_K = 1
INTER = 64
N_TOKENS = 2048
ALPHA = 1.702
LIMIT = 7.0


def swiglu(x, alpha=ALPHA, limit=LIMIT):
    x_glu = x[..., ::2]
    x_linear = x[..., 1::2]
    x_glu = jnp.clip(x_glu, None, limit)
    x_linear = jnp.clip(x_linear, -limit, limit)
    swish_gate = x_glu * jax.nn.sigmoid(alpha * x_glu)
    return swish_gate * (x_linear + 1.0)


def setup_inputs(seed: int = 0) -> dict:
    key = jax.random.key(seed)
    ks = jax.random.split(key, 6)
    x = jax.random.normal(ks[0], (N_TOKENS, HIDDEN), dtype=jnp.float32)
    scale = jnp.ones((HIDDEN,), jnp.float32)
    gate_kernel = (0.02 * jax.random.normal(ks[1], (HIDDEN, NUM_EXPERTS), dtype=jnp.float32)).astype(jnp.bfloat16)
    gate_bias = jnp.zeros((NUM_EXPERTS,), jnp.bfloat16)
    mlp1_weight = (0.02 * jax.random.normal(ks[2], (NUM_EXPERTS, 2 * INTER, HIDDEN), dtype=jnp.float32)).astype(jnp.bfloat16)
    mlp1_bias = jnp.zeros((NUM_EXPERTS, 2 * INTER), jnp.bfloat16)
    mlp2_weight = (0.02 * jax.random.normal(ks[3], (NUM_EXPERTS, HIDDEN, INTER), dtype=jnp.float32)).astype(jnp.bfloat16)
    mlp2_bias = jnp.zeros((NUM_EXPERTS, HIDDEN), jnp.bfloat16)
    return {"x": x, "scale": scale, "gate_kernel": gate_kernel, "gate_bias": gate_bias,
            "mlp1_weight": mlp1_weight, "mlp1_bias": mlp1_bias,
            "mlp2_weight": mlp2_weight, "mlp2_bias": mlp2_bias}


def reference(x, scale, gate_kernel, gate_bias, mlp1_weight, mlp1_bias, mlp2_weight, mlp2_bias):
    # RMSNorm (fp32 internals, learned scale)
    t32 = x.astype(jnp.float32)
    rms = jnp.sqrt(jnp.mean(t32 * t32, axis=-1, keepdims=True) + 1e-05)
    t = ((t32 / rms) * scale).astype(x.dtype)
    # Router gate (Dense with dtype=bfloat16 casts inputs to bf16)
    g = jnp.dot(t.astype(jnp.bfloat16), gate_kernel) + gate_bias
    expert_logits, expert_indices = jax.lax.top_k(g, TOP_K)
    expert_weights = jax.nn.softmax(expert_logits, axis=-1)
    # Gather per-token expert weights (SparseCore-style gather) and apply expert MLPs
    w1 = mlp1_weight[expert_indices]            # [T, K, 2I, H]
    b1 = mlp1_bias[expert_indices]              # [T, K, 2I]
    h1 = jnp.einsum('th,tkfh->tkf', t, w1) + b1
    h1 = swiglu(h1, limit=LIMIT)
    w2 = mlp2_weight[expert_indices]            # [T, K, H, I]
    b2 = mlp2_bias[expert_indices]              # [T, K, H]
    h2 = jnp.einsum('tki,tkhi->tkh', h1, w2) + b2
    moe_out = jnp.sum(h2 * expert_weights[..., None].astype(h2.dtype), axis=1)
    # Residual
    return x + moe_out.astype(x.dtype)

if __name__ == "__main__":
    import jax
    _d = setup_inputs()
    print(jax.jit(kernel)(*tuple(_d.values())))

</pallas_src>

<mosaic_0001>
#map = affine_map<(d0, d1) -> (0, 0)>
#map1 = affine_map<(d0, d1) -> (0)>
module attributes {stable_mosaic.version = 14 : i64} {
  func.func @_sc_gather_body(%arg0: i32, %arg1: i32, %arg2: memref<2048x768xf32, #tpu.memory_space<hbm>>, %arg3: memref<2048xi32, #tpu.memory_space<hbm>>, %arg4: memref<2048x768xf32, #tpu.memory_space<hbm>>, %arg5: memref<64xi32, #tpu.memory_space<vmem>>, %arg6: memref<64x768xf32, #tpu.memory_space<vmem>>, %arg7: memref<!tpu.dma_semaphore, #tpu.memory_space<semaphore_mem>>) attributes {dimension_semantics = [#tpu.dimension_semantics<core_parallel>, #tpu.dimension_semantics<subcore_parallel>], iteration_bounds = array<i64: 2, 16>, scalar_prefetch = 0 : i64, scratch_operands = 3 : i64, tpu.core_type = #tpu.core_type<sc_vector_subcore>, window_params = [{transform_indices = #map}, {transform_indices = #map1}, {transform_indices = #map}]} {
    %mul3A = arith.constant 2 : i32
    %mul3A_0 = arith.muli %arg1, %mul3A : i32
    %add3A = arith.addi %mul3A_0, %arg0 : i32
    %mul3A_1 = arith.constant 64 : i32
    %mul3A_2 = arith.muli %add3A, %mul3A_1 : i32
    "tpu.region"() ({
      %run_scoped3A = tpu.sem_alloc : memref<!tpu.dma_semaphore, #tpu.memory_space<semaphore_mem>>
      %dma_start3A_7 = tpu.memref_slice %arg3[%mul3A_2] : memref<2048xi32, #tpu.memory_space<hbm>> -> memref<64xi32, #tpu.memory_space<hbm>>
      %dma_start3A_8 = tpu.memref_slice %arg3[%mul3A_2] : memref<2048xi32, #tpu.memory_space<hbm>> -> memref<64xi32, #tpu.memory_space<hbm>>
      tpu.enqueue_dma source(%dma_start3A_8 : memref<64xi32, #tpu.memory_space<hbm>>) target(%arg5 : memref<64xi32, #tpu.memory_space<vmem>>) target_semaphore(%run_scoped3A : memref<!tpu.dma_semaphore, #tpu.memory_space<semaphore_mem>>)
      %dma_wait3A_9 = tpu.memref_slice %arg3[%mul3A_2] : memref<2048xi32, #tpu.memory_space<hbm>> -> memref<64xi32, #tpu.memory_space<hbm>>
      %dma_wait3A_10 = tpu.memref_slice %arg3[%mul3A_2] : memref<2048xi32, #tpu.memory_space<hbm>> -> memref<64xi32, #tpu.memory_space<hbm>>
      tpu.wait_dma2 semaphore(%run_scoped3A : memref<!tpu.dma_semaphore, #tpu.memory_space<semaphore_mem>>) src(%dma_wait3A_10 : memref<64xi32, #tpu.memory_space<hbm>>) dst(%arg5 : memref<64xi32, #tpu.memory_space<vmem>>)
      tpu.yield
    }) : () -> ()
    %dma_start3A = arith.constant 0 : i32
    %dma_start3A_3 = arith.constant 0 : i32
    %dma_start3A_4 = tpu.memref_slice %arg2[%dma_start3A, %dma_start3A_3] : memref<2048x768xf32, #tpu.memory_space<hbm>> -> memref<2048x768xf32, #tpu.memory_space<hbm>>
    tpu.enqueue_indirect_dma source(%dma_start3A_4 : memref<2048x768xf32, #tpu.memory_space<hbm>>) target(%arg6 : memref<64x768xf32, #tpu.memory_space<vmem>>) offsets(%arg5 : memref<64xi32, #tpu.memory_space<vmem>>) semaphore(%arg7 : memref<!tpu.dma_semaphore, #tpu.memory_space<semaphore_mem>>)
    %dma_wait3A = arith.constant 0 : i32
    %dma_wait3A_5 = arith.constant 0 : i32
    %dma_wait3A_6 = tpu.memref_slice %arg2[%dma_wait3A, %dma_wait3A_5] : memref<2048x768xf32, #tpu.memory_space<hbm>> -> memref<2048x768xf32, #tpu.memory_space<hbm>>
    tpu.wait_indirect_dma semaphore(%arg7 : memref<!tpu.dma_semaphore, #tpu.memory_space<semaphore_mem>>) src(%dma_wait3A_6 : memref<2048x768xf32, #tpu.memory_space<hbm>>) dst(%arg6 : memref<64x768xf32, #tpu.memory_space<vmem>>)
    "tpu.region"() ({
      %run_scoped3A = tpu.sem_alloc : memref<!tpu.dma_semaphore, #tpu.memory_space<semaphore_mem>>
      %dma_start3A_7 = arith.constant 0 : i32
      %dma_start3A_8 = tpu.memref_slice %arg4[%mul3A_2, %dma_start3A_7] : memref<2048x768xf32, #tpu.memory_space<hbm>> -> memref<64x768xf32, #tpu.memory_space<hbm>>
      %dma_start3A_9 = arith.constant 0 : i32
      %dma_start3A_10 = tpu.memref_slice %arg4[%mul3A_2, %dma_start3A_9] : memref<2048x768xf32, #tpu.memory_space<hbm>> -> memref<64x768xf32, #tpu.memory_space<hbm>>
      tpu.enqueue_dma source(%arg6 : memref<64x768xf32, #tpu.memory_space<vmem>>) target(%dma_start3A_10 : memref<64x768xf32, #tpu.memory_space<hbm>>) target_semaphore(%run_scoped3A : memref<!tpu.dma_semaphore, #tpu.memory_space<semaphore_mem>>)
      %dma_wait3A_11 = arith.constant 0 : i32
      %dma_wait3A_12 = tpu.memref_slice %arg4[%mul3A_2, %dma_wait3A_11] : memref<2048x768xf32, #tpu.memory_space<hbm>> -> memref<64x768xf32, #tpu.memory_space<hbm>>
      %dma_wait3A_13 = arith.constant 0 : i32
      %dma_wait3A_14 = tpu.memref_slice %arg4[%mul3A_2, %dma_wait3A_13] : memref<2048x768xf32, #tpu.memory_space<hbm>> -> memref<64x768xf32, #tpu.memory_space<hbm>>
      tpu.wait_dma2 semaphore(%run_scoped3A : memref<!tpu.dma_semaphore, #tpu.memory_space<semaphore_mem>>) src(%arg6 : memref<64x768xf32, #tpu.memory_space<vmem>>) dst(%dma_wait3A_14 : memref<64x768xf32, #tpu.memory_space<hbm>>)
      tpu.yield
    }) : () -> ()
    return
  }
}

#map = affine_map<(d0, d1) -> (0, 0)>
#map1 = affine_map<(d0, d1) -> (0)>
module attributes {stable_mosaic.version = 14 : i64} {
  func.func @_sc_scatter_body(%arg0: i32, %arg1: i32, %arg2: memref<2048x768xf32, #tpu.memory_space<hbm>>, %arg3: memref<2048xi32, #tpu.memory_space<hbm>>, %arg4: memref<2048xi32, #tpu.memory_space<hbm>>, %arg5: memref<64xi32, #tpu.memory_space<hbm>>, %arg6: memref<2048x768xf32, #tpu.memory_space<hbm>>, %arg7: memref<2048xi32, #tpu.memory_space<hbm>>, %arg8: memref<64xi32, #tpu.memory_space<vmem>>, %arg9: memref<64xi32, #tpu.memory_space<vmem>>, %arg10: memref<64xi32, #tpu.memory_space<vmem>>, %arg11: memref<64xi32, #tpu.memory_space<vmem>>, %arg12: memref<64x768xf32, #tpu.memory_space<vmem>>, %arg13: memref<!tpu.dma_semaphore, #tpu.memory_space<semaphore_mem>>, %arg14: memref<!tpu.dma_semaphore, #tpu.memory_space<semaphore_mem>>) attributes {dimension_semantics = [#tpu.dimension_semantics<core_parallel>, #tpu.dimension_semantics<subcore_parallel>], iteration_bounds = array<i64: 2, 16>, scalar_prefetch = 0 : i64, scratch_operands = 7 : i64, tpu.core_type = #tpu.core_type<sc_vector_subcore>, window_params = [{transform_indices = #map}, {transform_indices = #map1}, {transform_indices = #map1}, {transform_indices = #map1}, {transform_indices = #map}, {transform_indices = #map1}]} {
    %mul3A = arith.constant 2 : i32
    %mul3A_0 = arith.muli %arg1, %mul3A : i32
    %add3A = arith.addi %mul3A_0, %arg0 : i32
    %mul3A_1 = arith.constant 64 : i32
    %mul3A_2 = arith.muli %add3A, %mul3A_1 : i32
    %dma_start3A = arith.constant 0 : i32
    %dma_start3A_3 = tpu.memref_slice %arg2[%mul3A_2, %dma_start3A] : memref<2048x768xf32, #tpu.memory_space<hbm>> -> memref<64x768xf32, #tpu.memory_space<hbm>>
    %dma_start3A_4 = arith.constant 0 : i32
    %dma_start3A_5 = tpu.memref_slice %arg2[%mul3A_2, %dma_start3A_4] : memref<2048x768xf32, #tpu.memory_space<hbm>> -> memref<64x768xf32, #tpu.memory_space<hbm>>
    tpu.enqueue_dma source(%dma_start3A_5 : memref<64x768xf32, #tpu.memory_space<hbm>>) target(%arg12 : memref<64x768xf32, #tpu.memory_space<vmem>>) target_semaphore(%arg14 : memref<!tpu.dma_semaphore, #tpu.memory_space<semaphore_mem>>)
    "tpu.region"() ({
      %run_scoped3A = tpu.sem_alloc : memref<!tpu.dma_semaphore, #tpu.memory_space<semaphore_mem>>
      tpu.enqueue_dma source(%arg5 : memref<64xi32, #tpu.memory_space<hbm>>) target(%arg8 : memref<64xi32, #tpu.memory_space<vmem>>) target_semaphore(%run_scoped3A : memref<!tpu.dma_semaphore, #tpu.memory_space<semaphore_mem>>)
      tpu.wait_dma2 semaphore(%run_scoped3A : memref<!tpu.dma_semaphore, #tpu.memory_space<semaphore_mem>>) src(%arg5 : memref<64xi32, #tpu.memory_space<hbm>>) dst(%arg8 : memref<64xi32, #tpu.memory_space<vmem>>)
      tpu.yield
    }) : () -> ()
    "tpu.region"() ({
      %run_scoped3A = tpu.sem_alloc : memref<!tpu.dma_semaphore, #tpu.memory_space<semaphore_mem>>
      %dma_start3A_44 = tpu.memref_slice %arg3[%mul3A_2] : memref<2048xi32, #tpu.memory_space<hbm>> -> memref<64xi32, #tpu.memory_space<hbm>>
      %dma_start3A_45 = tpu.memref_slice %arg3[%mul3A_2] : memref<2048xi32, #tpu.memory_space<hbm>> -> memref<64xi32, #tpu.memory_space<hbm>>
      tpu.enqueue_dma source(%dma_start3A_45 : memref<64xi32, #tpu.memory_space<hbm>>) target(%arg9 : memref<64xi32, #tpu.memory_space<vmem>>) target_semaphore(%run_scoped3A : memref<!tpu.dma_semaphore, #tpu.memory_space<semaphore_mem>>)
      %dma_wait3A_46 = tpu.memref_slice %arg3[%mul3A_2] : memref<2048xi32, #tpu.memory_space<hbm>> -> memref<64xi32, #tpu.memory_space<hbm>>
      %dma_wait3A_47 = tpu.memref_slice %arg3[%mul3A_2] : memref<2048xi32, #tpu.memory_space<hbm>> -> memref<64xi32, #tpu.memory_space<hbm>>
      tpu.wait_dma2 semaphore(%run_scoped3A : memref<!tpu.dma_semaphore, #tpu.memory_space<semaphore_mem>>) src(%dma_wait3A_47 : memref<64xi32, #tpu.memory_space<hbm>>) dst(%arg9 : memref<64xi32, #tpu.memory_space<vmem>>)
      tpu.yield
    }) : () -> ()
    "tpu.region"() ({
      %run_scoped3A = tpu.sem_alloc : memref<!tpu.dma_semaphore, #tpu.memory_space<semaphore_mem>>
      %dma_start3A_44 = tpu.memref_slice %arg4[%mul3A_2] : memref<2048xi32, #tpu.memory_space<hbm>> -> memref<64xi32, #tpu.memory_space<hbm>>
      %dma_start3A_45 = tpu.memref_slice %arg4[%mul3A_2] : memref<2048xi32, #tpu.memory_space<hbm>> -> memref<64xi32, #tpu.memory_space<hbm>>
      tpu.enqueue_dma source(%dma_start3A_45 : memref<64xi32, #tpu.memory_space<hbm>>) target(%arg10 : memref<64xi32, #tpu.memory_space<vmem>>) target_semaphore(%run_scoped3A : memref<!tpu.dma_semaphore, #tpu.memory_space<semaphore_mem>>)
      %dma_wait3A_46 = tpu.memref_slice %arg4[%mul3A_2] : memref<2048xi32, #tpu.memory_space<hbm>> -> memref<64xi32, #tpu.memory_space<hbm>>
      %dma_wait3A_47 = tpu.memref_slice %arg4[%mul3A_2] : memref<2048xi32, #tpu.memory_space<hbm>> -> memref<64xi32, #tpu.memory_space<hbm>>
      tpu.wait_dma2 semaphore(%run_scoped3A : memref<!tpu.dma_semaphore, #tpu.memory_space<semaphore_mem>>) src(%dma_wait3A_47 : memref<64xi32, #tpu.memory_space<hbm>>) dst(%arg10 : memref<64xi32, #tpu.memory_space<vmem>>)
      tpu.yield
    }) : () -> ()
    %get3A = arith.constant 0 : index
    %get3A_6 = tpu.vector_load %arg9[%get3A] {strides = array<i32>} : memref<64xi32, #tpu.memory_space<vmem>>, vector<16xi32>,
    %gather3A = tpu.vector_load_idx %arg8[%get3A_6] : memref<64xi32, #tpu.memory_space<vmem>>[vector<16xi32>], vector<16xi32>,
    %get3A_7 = arith.constant 0 : index
    %get3A_8 = tpu.vector_load %arg10[%get3A_7] {strides = array<i32>} : memref<64xi32, #tpu.memory_space<vmem>>, vector<16xi32>,
    %add3A_9 = arith.addi %gather3A, %get3A_8 : vector<16xi32>
    %swap3A = arith.constant 0 : index
    %swap3A_10 = tpu.vector_load %arg11[%swap3A] {strides = array<i32>} : memref<64xi32, #tpu.memory_space<vmem>>, vector<16xi32>,
    tpu.vector_store %arg11[%swap3A], %add3A_9 {strides = array<i32>} : memref<64xi32, #tpu.memory_space<vmem>>, vector<16xi32>,
    %get3A_11 = arith.constant 16 : index
    %get3A_12 = tpu.vector_load %arg9[%get3A_11] {strides = array<i32>} : memref<64xi32, #tpu.memory_space<vmem>>, vector<16xi32>,
    %gather3A_13 = tpu.vector_load_idx %arg8[%get3A_12] : memref<64xi32, #tpu.memory_space<vmem>>[vector<16xi32>], vector<16xi32>,
    %get3A_14 = arith.constant 16 : index
    %get3A_15 = tpu.vector_load %arg10[%get3A_14] {strides = array<i32>} : memref<64xi32, #tpu.memory_space<vmem>>, vector<16xi32>,
    %add3A_16 = arith.addi %gather3A_13, %get3A_15 : vector<16xi32>
    %swap3A_17 = arith.constant 16 : index
    %swap3A_18 = tpu.vector_load %arg11[%swap3A_17] {strides = array<i32>} : memref<64xi32, #tpu.memory_space<vmem>>, vector<16xi32>,
    tpu.vector_store %arg11[%swap3A_17], %add3A_16 {strides = array<i32>} : memref<64xi32, #tpu.memory_space<vmem>>, vector<16xi32>,
    %get3A_19 = arith.constant 32 : index
    %get3A_20 = tpu.vector_load %arg9[%get3A_19] {strides = array<i32>} : memref<64xi32, #tpu.memory_space<vmem>>, vector<16xi32>,
    %gather3A_21 = tpu.vector_load_idx %arg8[%get3A_20] : memref<64xi32, #tpu.memory_space<vmem>>[vector<16xi32>], vector<16xi32>,
    %get3A_22 = arith.constant 32 : index
    %get3A_23 = tpu.vector_load %arg10[%get3A_22] {strides = array<i32>} : memref<64xi32, #tpu.memory_space<vmem>>, vector<16xi32>,
    %add3A_24 = arith.addi %gather3A_21, %get3A_23 : vector<16xi32>
    %swap3A_25 = arith.constant 32 : index
    %swap3A_26 = tpu.vector_load %arg11[%swap3A_25] {strides = array<i32>} : memref<64xi32, #tpu.memory_space<vmem>>, vector<16xi32>,
    tpu.vector_store %arg11[%swap3A_25], %add3A_24 {strides = array<i32>} : memref<64xi32, #tpu.memory_space<vmem>>, vector<16xi32>,
    %get3A_27 = arith.constant 48 : index
    %get3A_28 = tpu.vector_load %arg9[%get3A_27] {strides = array<i32>} : memref<64xi32, #tpu.memory_space<vmem>>, vector<16xi32>,
    %gather3A_29 = tpu.vector_load_idx %arg8[%get3A_28] : memref<64xi32, #tpu.memory_space<vmem>>[vector<16xi32>], vector<16xi32>,
    %get3A_30 = arith.constant 48 : index
    %get3A_31 = tpu.vector_load %arg10[%get3A_30] {strides = array<i32>} : memref<64xi32, #tpu.memory_space<vmem>>, vector<16xi32>,
    %add3A_32 = arith.addi %gather3A_29, %get3A_31 : vector<16xi32>
    %swap3A_33 = arith.constant 48 : index
    %swap3A_34 = tpu.vector_load %arg11[%swap3A_33] {strides = array<i32>} : memref<64xi32, #tpu.memory_space<vmem>>, vector<16xi32>,
    tpu.vector_store %arg11[%swap3A_33], %add3A_32 {strides = array<i32>} : memref<64xi32, #tpu.memory_space<vmem>>, vector<16xi32>,
    "tpu.region"() ({
      %run_scoped3A = tpu.sem_alloc : memref<!tpu.dma_semaphore, #tpu.memory_space<semaphore_mem>>
      %dma_start3A_44 = tpu.memref_slice %arg7[%mul3A_2] : memref<2048xi32, #tpu.memory_space<hbm>> -> memref<64xi32, #tpu.memory_space<hbm>>
      %dma_start3A_45 = tpu.memref_slice %arg7[%mul3A_2] : memref<2048xi32, #tpu.memory_space<hbm>> -> memref<64xi32, #tpu.memory_space<hbm>>
      tpu.enqueue_dma source(%arg11 : memref<64xi32, #tpu.memory_space<vmem>>) target(%dma_start3A_45 : memref<64xi32, #tpu.memory_space<hbm>>) target_semaphore(%run_scoped3A : memref<!tpu.dma_semaphore, #tpu.memory_space<semaphore_mem>>)
      %dma_wait3A_46 = tpu.memref_slice %arg7[%mul3A_2] : memref<2048xi32, #tpu.memory_space<hbm>> -> memref<64xi32, #tpu.memory_space<hbm>>
      %dma_wait3A_47 = tpu.memref_slice %arg7[%mul3A_2] : memref<2048xi32, #tpu.memory_space<hbm>> -> memref<64xi32, #tpu.memory_space<hbm>>
      tpu.wait_dma2 semaphore(%run_scoped3A : memref<!tpu.dma_semaphore, #tpu.memory_space<semaphore_mem>>) src(%arg11 : memref<64xi32, #tpu.memory_space<vmem>>) dst(%dma_wait3A_47 : memref<64xi32, #tpu.memory_space<hbm>>)
      tpu.yield
    }) : () -> ()
    %dma_wait3A = arith.constant 0 : i32
    %dma_wait3A_35 = tpu.memref_slice %arg2[%mul3A_2, %dma_wait3A] : memref<2048x768xf32, #tpu.memory_space<hbm>> -> memref<64x768xf32, #tpu.memory_space<hbm>>
    %dma_wait3A_36 = arith.constant 0 : i32
    %dma_wait3A_37 = tpu.memref_slice %arg2[%mul3A_2, %dma_wait3A_36] : memref<2048x768xf32, #tpu.memory_space<hbm>> -> memref<64x768xf32, #tpu.memory_space<hbm>>
    tpu.wait_dma2 semaphore(%arg14 : memref<!tpu.dma_semaphore, #tpu.memory_space<semaphore_mem>>) src(%dma_wait3A_37 : memref<64x768xf32, #tpu.memory_space<hbm>>) dst(%arg12 : memref<64x768xf32, #tpu.memory_space<vmem>>)
    %dma_start3A_38 = arith.constant 0 : i32
    %dma_start3A_39 = arith.constant 0 : i32
    %dma_start3A_40 = tpu.memref_slice %arg6[%dma_start3A_38, %dma_start3A_39] : memref<2048x768xf32, #tpu.memory_space<hbm>> -> memref<2048x768xf32, #tpu.memory_space<hbm>>
    tpu.enqueue_indirect_dma source(%arg12 : memref<64x768xf32, #tpu.memory_space<vmem>>) target(%dma_start3A_40 : memref<2048x768xf32, #tpu.memory_space<hbm>>) offsets(%arg11 : memref<64xi32, #tpu.memory_space<vmem>>) semaphore(%arg13 : memref<!tpu.dma_semaphore, #tpu.memory_space<semaphore_mem>>)
    %dma_wait3A_41 = arith.constant 0 : i32
    %dma_wait3A_42 = arith.constant 0 : i32
    %dma_wait3A_43 = tpu.memref_slice %arg6[%dma_wait3A_41, %dma_wait3A_42] : memref<2048x768xf32, #tpu.memory_space<hbm>> -> memref<2048x768xf32, #tpu.memory_space<hbm>>
    tpu.wait_indirect_dma semaphore(%arg13 : memref<!tpu.dma_semaphore, #tpu.memory_space<semaphore_mem>>) src(%arg12 : memref<64x768xf32, #tpu.memory_space<vmem>>) dst(%dma_wait3A_43 : memref<2048x768xf32, #tpu.memory_space<hbm>>)
    return
  }
}

module attributes {stable_mosaic.version = 14 : i64} {
  func.func @_prep_body(%arg0: i32, %arg1: memref<256x768xf32, #tpu.memory_space<vmem>>, %arg2: memref<1x768xf32, #tpu.memory_space<vmem>>, %arg3: memref<768x64xbf16, #tpu.memory_space<vmem>>, %arg4: memref<1x64xbf16, #tpu.memory_space<vmem>>, %arg5: memref<256x768xf32, #tpu.memory_space<vmem>>, %arg6: memref<256x1xi32, #tpu.memory_space<vmem>>, %arg7: memref<256x1xi32, #tpu.memory_space<vmem>>, %arg8: memref<1x64xi32, #tpu.memory_space<vmem>>, %arg9: memref<16x1xi32, #tpu.memory_space<vmem>>, %arg10: memref<16x1xi32, #tpu.memory_space<vmem>>, %arg11: memref<1x64xi32, #tpu.memory_space<vmem>>) attributes {dimension_semantics = [#tpu.dimension_semantics<arbitrary>], iteration_bounds = array<i64: 8>, scalar_prefetch = 0 : i64, scratch_operands = 1 : i64, tpu.core_type = #tpu.core_type<tc>, window_params = [{transform_indices = @transform_0, window_bounds = array<i64: 256, 768>}, {pipeline_mode = #tpu.pipeline_mode<synchronous>, transform_indices = @transform_1, window_bounds = array<i64: 1, 768>}, {pipeline_mode = #tpu.pipeline_mode<synchronous>, transform_indices = @transform_2, window_bounds = array<i64: 768, 64>}, {pipeline_mode = #tpu.pipeline_mode<synchronous>, transform_indices = @transform_3, window_bounds = array<i64: 1, 64>}, {transform_indices = @transform_4, window_bounds = array<i64: 256, 768>}, {transform_indices = @transform_5, window_bounds = array<i64: 256, 1>}, {transform_indices = @transform_6, window_bounds = array<i64: 256, 1>}, {pipeline_mode = #tpu.pipeline_mode<synchronous>, transform_indices = @transform_7, window_bounds = array<i64: 1, 64>}, {pipeline_mode = #tpu.pipeline_mode<synchronous>, transform_indices = @transform_8, window_bounds = array<i64: 16, 1>}, {pipeline_mode = #tpu.pipeline_mode<synchronous>, transform_indices = @transform_9, window_bounds = array<i64: 16, 1>}]} {
    %eq3A = arith.constant 0 : i32
    %eq3A_0 = arith.cmpi eq, %arg0, %eq3A : i32
    %convert_element_type3A = arith.extui %eq3A_0 : i1 to i32
    %cond3A = arith.constant 0 : i32
    %cond3A_1 = arith.cmpi ne, %convert_element_type3A, %cond3A : i32
    scf.if %cond3A_1 {
      %broadcast_in_dim3A_81 = arith.constant 0 : i32
      %broadcast_in_dim3A_82 = vector.broadcast %broadcast_in_dim3A_81 : i32 to vector<1x64xi32>
      %swap3A_83 = arith.constant 0 : index
      %swap3A_84 = arith.constant 0 : index
      %swap3A_85 = vector.load %arg11[%swap3A_83, %swap3A_84] : memref<1x64xi32, #tpu.memory_space<vmem>>, vector<1x64xi32>
      tpu.vector_store %arg11[%swap3A_83, %swap3A_84], %broadcast_in_dim3A_82 {strides = array<i32>} : memref<1x64xi32, #tpu.memory_space<vmem>>, vector<1x64xi32>,
    } else {
    }
    %get3A = arith.constant 0 : index
    %get3A_2 = arith.constant 0 : index
    %get3A_3 = vector.load %arg1[%get3A, %get3A_2] : memref<256x768xf32, #tpu.memory_space<vmem>>, vector<256x768xf32>
    %mul3A = arith.mulf %get3A_3, %get3A_3 : vector<256x768xf32>
    %reduce_sum3A = arith.constant dense<0.000000e+00> : vector<256xf32>
    %reduce_sum3A_4 = vector.multi_reduction <add>, %mul3A, %reduce_sum3A [1] : vector<256x768xf32> to vector<256xf32>
    %broadcast_in_dim3A = vector.shape_cast %reduce_sum3A_4 : vector<256xf32> to vector<256x1xf32>
    %div3A = arith.constant 7.680000e+02 : f32
    %div3A_5 = vector.broadcast %div3A : f32 to vector<256x1xf32>
    %div3A_6 = arith.divf %broadcast_in_dim3A, %div3A_5 : vector<256x1xf32>
    %add3A = arith.constant 9.99999974E-6 : f32
    %add3A_7 = vector.broadcast %add3A : f32 to vector<256x1xf32>
    %add3A_8 = arith.addf %div3A_6, %add3A_7 : vector<256x1xf32>
    %sqrt3A = math.sqrt %add3A_8 : vector<256x1xf32>
    %div3A_9 = vector.broadcast %sqrt3A : vector<256x1xf32> to vector<256x768xf32>
    %div3A_10 = arith.divf %get3A_3, %div3A_9 : vector<256x768xf32>
    %get3A_11 = arith.constant 0 : index
    %get3A_12 = arith.constant 0 : index
    %get3A_13 = vector.load %arg2[%get3A_11, %get3A_12] : memref<1x768xf32, #tpu.memory_space<vmem>>, vector<1x768xf32>
    %mul3A_14 = vector.broadcast %get3A_13 : vector<1x768xf32> to vector<256x768xf32>
    %mul3A_15 = arith.mulf %div3A_10, %mul3A_14 : vector<256x768xf32>
    %convert_element_type3A_16 = arith.truncf %mul3A_15 : vector<256x768xf32> to vector<256x768xbf16>
    %convert_element_type3A_17 = arith.extf %convert_element_type3A_16 : vector<256x768xbf16> to vector<256x768xf32>
    %swap3A = arith.constant 0 : index
    %swap3A_18 = arith.constant 0 : index
    %swap3A_19 = vector.load %arg5[%swap3A, %swap3A_18] : memref<256x768xf32, #tpu.memory_space<vmem>>, vector<256x768xf32>
    tpu.vector_store %arg5[%swap3A, %swap3A_18], %convert_element_type3A_17 {strides = array<i32>} : memref<256x768xf32, #tpu.memory_space<vmem>>, vector<256x768xf32>,
    %get3A_20 = arith.constant 0 : index
    %get3A_21 = arith.constant 0 : index
    %get3A_22 = vector.load %arg3[%get3A_20, %get3A_21] : memref<768x64xbf16, #tpu.memory_space<vmem>>, vector<768x64xbf16>
    %dot_general3A = arith.constant dense<0.000000e+00> : vector<256x64xf32>
    %dot_general3A_23 = tpu.matmul %convert_element_type3A_16, %get3A_22, %dot_general3A {dimension_numbers = #tpu.dot_dimension_numbers<[1], [0], [0], [1], [0, 0, 1, 1], [], []>, transpose_lhs_hint = false} : vector<256x768xbf16>, vector<768x64xbf16>, vector<256x64xf32> -> vector<256x64xf32>
    %convert_element_type3A_24 = arith.truncf %dot_general3A_23 : vector<256x64xf32> to vector<256x64xbf16>
    %get3A_25 = arith.constant 0 : index
    %get3A_26 = arith.constant 0 : index
    %get3A_27 = vector.load %arg4[%get3A_25, %get3A_26] : memref<1x64xbf16, #tpu.memory_space<vmem>>, vector<1x64xbf16>
    %add3A_28 = vector.broadcast %get3A_27 : vector<1x64xbf16> to vector<256x64xbf16>
    %add3A_29 = arith.addf %convert_element_type3A_24, %add3A_28 : vector<256x64xbf16>
    %convert_element_type3A_30 = arith.extf %add3A_29 : vector<256x64xbf16> to vector<256x64xf32>
    %reduce_max3A = arith.constant dense<0xFF800000> : vector<256xf32>
    %reduce_max3A_31 = vector.multi_reduction <maximumf>, %convert_element_type3A_30, %reduce_max3A [1] : vector<256x64xf32> to vector<256xf32>
    %broadcast_in_dim3A_32 = vector.shape_cast %reduce_max3A_31 : vector<256xf32> to vector<256x1xf32>
    %sub3A = vector.broadcast %broadcast_in_dim3A_32 : vector<256x1xf32> to vector<256x64xf32>
    %sub3A_33 = arith.subf %convert_element_type3A_30, %sub3A : vector<256x64xf32>
    %iota3A = tpu.iota {dimensions = array<i32: 1>} : vector<256x64xi32>
    %eq3A_34 = arith.constant 0.000000e+00 : f32
    %eq3A_35 = vector.broadcast %eq3A_34 : f32 to vector<256x64xf32>
    %eq3A_36 = arith.cmpf oeq, %sub3A_33, %eq3A_35 : vector<256x64xf32>
    %jit3A = arith.constant 64 : i32
    %broadcast_in_dim3A_37 = vector.broadcast %jit3A : i32 to vector<256x64xi32>
    %select_n3A = arith.select %eq3A_36, %iota3A, %broadcast_in_dim3A_37 : vector<256x64xi1>, vector<256x64xi32>
    %reduce_min3A = arith.constant dense<2147483647> : vector<256xi32>
    %reduce_min3A_38 = vector.multi_reduction <minsi>, %select_n3A, %reduce_min3A [1] : vector<256x64xi32> to vector<256xi32>
    %broadcast_in_dim3A_39 = vector.shape_cast %reduce_min3A_38 : vector<256xi32> to vector<256x1xi32>
    %swap3A_40 = arith.constant 0 : index
    %swap3A_41 = arith.constant 0 : index
    %swap3A_42 = vector.load %arg6[%swap3A_40, %swap3A_41] : memref<256x1xi32, #tpu.memory_space<vmem>>, vector<256x1xi32>
    tpu.vector_store %arg6[%swap3A_40, %swap3A_41], %broadcast_in_dim3A_39 {strides = array<i32>} : memref<256x1xi32, #tpu.memory_space<vmem>>, vector<256x1xi32>,
    %eq3A_43 = vector.broadcast %broadcast_in_dim3A_39 : vector<256x1xi32> to vector<256x64xi32>
    %eq3A_44 = arith.cmpi eq, %iota3A, %eq3A_43 : vector<256x64xi32>
    %convert_element_type3A_45 = arith.extui %eq3A_44 : vector<256x64xi1> to vector<256x64xi32>
    %iota3A_46 = tpu.iota {dimensions = array<i32: 0>} : vector<256x256xi32>
    %iota3A_47 = tpu.iota {dimensions = array<i32: 1>} : vector<256x256xi32>
    %ge3A = arith.cmpi sge, %iota3A_46, %iota3A_47 : vector<256x256xi32>
    %convert_element_type3A_48 = arith.extui %ge3A : vector<256x256xi1> to vector<256x256xi32>
    %convert_element_type3A_49 = arith.sitofp %convert_element_type3A_48 : vector<256x256xi32> to vector<256x256xf32>
    %convert_element_type3A_50 = arith.truncf %convert_element_type3A_49 : vector<256x256xf32> to vector<256x256xbf16>
    %convert_element_type3A_51 = arith.extui %eq3A_44 : vector<256x64xi1> to vector<256x64xi32>
    %convert_element_type3A_52 = arith.sitofp %convert_element_type3A_51 : vector<256x64xi32> to vector<256x64xf32>
    %convert_element_type3A_53 = arith.truncf %convert_element_type3A_52 : vector<256x64xf32> to vector<256x64xbf16>
    %dot_general3A_54 = arith.constant dense<0.000000e+00> : vector<256x64xf32>
    %dot_general3A_55 = tpu.matmul %convert_element_type3A_50, %convert_element_type3A_53, %dot_general3A_54 {dimension_numbers = #tpu.dot_dimension_numbers<[1], [0], [0], [1], [0, 0, 1, 1], [], []>, transpose_lhs_hint = false} : vector<256x256xbf16>, vector<256x64xbf16>, vector<256x64xf32> -> vector<256x64xf32>
    %convert_element_type3A_56 = arith.fptosi %dot_general3A_55 : vector<256x64xf32> to vector<256x64xi32>
    %get3A_57 = arith.constant 0 : index
    %get3A_58 = arith.constant 0 : index
    %get3A_59 = vector.load %arg11[%get3A_57, %get3A_58] : memref<1x64xi32, #tpu.memory_space<vmem>>, vector<1x64xi32>
    %add3A_60 = vector.broadcast %get3A_59 : vector<1x64xi32> to vector<256x64xi32>
    %add3A_61 = arith.addi %add3A_60, %convert_element_type3A_56 : vector<256x64xi32>
    %sub3A_62 = arith.constant 1 : i32
    %sub3A_63 = vector.broadcast %sub3A_62 : i32 to vector<256x64xi32>
    %sub3A_64 = arith.subi %add3A_61, %sub3A_63 : vector<256x64xi32>
    %mul3A_65 = arith.muli %convert_element_type3A_45, %sub3A_64 : vector<256x64xi32>
    %reduce_sum3A_66 = arith.constant dense<0> : vector<256xi32>
    %reduce_sum3A_67 = vector.multi_reduction <add>, %mul3A_65, %reduce_sum3A_66 [1] : vector<256x64xi32> to vector<256xi32>
    %broadcast_in_dim3A_68 = vector.shape_cast %reduce_sum3A_67 : vector<256xi32> to vector<256x1xi32>
    %swap3A_69 = arith.constant 0 : index
    %swap3A_70 = arith.constant 0 : index
    %swap3A_71 = vector.load %arg7[%swap3A_69, %swap3A_70] : memref<256x1xi32, #tpu.memory_space<vmem>>, vector<256x1xi32>
    tpu.vector_store %arg7[%swap3A_69, %swap3A_70], %broadcast_in_dim3A_68 {strides = array<i32>} : memref<256x1xi32, #tpu.memory_space<vmem>>, vector<256x1xi32>,
    %slice3A = vector.extract_strided_slice %convert_element_type3A_56 {offsets = [255, 0], sizes = [1, 64], strides = [1, 1]} : vector<256x64xi32> to vector<1x64xi32>
    %add3A_72 = arith.addi %get3A_59, %slice3A : vector<1x64xi32>
    %swap3A_73 = arith.constant 0 : index
    %swap3A_74 = arith.constant 0 : index
    %swap3A_75 = vector.load %arg11[%swap3A_73, %swap3A_74] : memref<1x64xi32, #tpu.memory_space<vmem>>, vector<1x64xi32>
    tpu.vector_store %arg11[%swap3A_73, %swap3A_74], %add3A_72 {strides = array<i32>} : memref<1x64xi32, #tpu.memory_space<vmem>>, vector<1x64xi32>,
    %eq3A_76 = arith.constant 7 : i32
    %eq3A_77 = arith.cmpi eq, %arg0, %eq3A_76 : i32
    %convert_element_type3A_78 = arith.extui %eq3A_77 : i1 to i32
    %cond3A_79 = arith.constant 0 : i32
    %cond3A_80 = arith.cmpi ne, %convert_element_type3A_78, %cond3A_79 : i32
    scf.if %cond3A_80 {
      %iota3A_81 = tpu.iota {dimensions = array<i32: 1>} : vector<1x64xi32>
      %ge3A_82 = arith.constant 1 : i32
      %ge3A_83 = vector.broadcast %ge3A_82 : i32 to vector<1x64xi32>
      %ge3A_84 = arith.cmpi sge, %iota3A_81, %ge3A_83 : vector<1x64xi32>
      %roll3A = arith.constant 1 : i32
      %roll3A_85 = tpu.dynamic_rotate %add3A_72 by %roll3A dim 1 : vector<1x64xi32>, i32 -> vector<1x64xi32>
      %jit3A_86 = arith.constant 0 : i32
      %broadcast_in_dim3A_87 = vector.broadcast %jit3A_86 : i32 to vector<1x64xi32>
      %select_n3A_88 = arith.select %ge3A_84, %roll3A_85, %broadcast_in_dim3A_87 : vector<1x64xi1>, vector<1x64xi32>
      %add3A_89 = arith.addi %add3A_72, %select_n3A_88 : vector<1x64xi32>
      %ge3A_90 = arith.constant 2 : i32
      %ge3A_91 = vector.broadcast %ge3A_90 : i32 to vector<1x64xi32>
      %ge3A_92 = arith.cmpi sge, %iota3A_81, %ge3A_91 : vector<1x64xi32>
      %roll3A_93 = arith.constant 2 : i32
      %roll3A_94 = tpu.dynamic_rotate %add3A_89 by %roll3A_93 dim 1 : vector<1x64xi32>, i32 -> vector<1x64xi32>
      %jit3A_95 = arith.constant 0 : i32
      %broadcast_in_dim3A_96 = vector.broadcast %jit3A_95 : i32 to vector<1x64xi32>
      %select_n3A_97 = arith.select %ge3A_92, %roll3A_94, %broadcast_in_dim3A_96 : vector<1x64xi1>, vector<1x64xi32>
      %add3A_98 = arith.addi %add3A_89, %select_n3A_97 : vector<1x64xi32>
      %ge3A_99 = arith.constant 4 : i32
      %ge3A_100 = vector.broadcast %ge3A_99 : i32 to vector<1x64xi32>
      %ge3A_101 = arith.cmpi sge, %iota3A_81, %ge3A_100 : vector<1x64xi32>
      %roll3A_102 = arith.constant 4 : i32
      %roll3A_103 = tpu.dynamic_rotate %add3A_98 by %roll3A_102 dim 1 : vector<1x64xi32>, i32 -> vector<1x64xi32>
      %jit3A_104 = arith.constant 0 : i32
      %broadcast_in_dim3A_105 = vector.broadcast %jit3A_104 : i32 to vector<1x64xi32>
      %select_n3A_106 = arith.select %ge3A_101, %roll3A_103, %broadcast_in_dim3A_105 : vector<1x64xi1>, vector<1x64xi32>
      %add3A_107 = arith.addi %add3A_98, %select_n3A_106 : vector<1x64xi32>
      %ge3A_108 = arith.constant 8 : i32
      %ge3A_109 = vector.broadcast %ge3A_108 : i32 to vector<1x64xi32>
      %ge3A_110 = arith.cmpi sge, %iota3A_81, %ge3A_109 : vector<1x64xi32>
      %roll3A_111 = arith.constant 8 : i32
      %roll3A_112 = tpu.dynamic_rotate %add3A_107 by %roll3A_111 dim 1 : vector<1x64xi32>, i32 -> vector<1x64xi32>
      %jit3A_113 = arith.constant 0 : i32
      %broadcast_in_dim3A_114 = vector.broadcast %jit3A_113 : i32 to vector<1x64xi32>
      %select_n3A_115 = arith.select %ge3A_110, %roll3A_112, %broadcast_in_dim3A_114 : vector<1x64xi1>, vector<1x64xi32>
      %add3A_116 = arith.addi %add3A_107, %select_n3A_115 : vector<1x64xi32>
      %ge3A_117 = arith.constant 16 : i32
      %ge3A_118 = vector.broadcast %ge3A_117 : i32 to vector<1x64xi32>
      %ge3A_119 = arith.cmpi sge, %iota3A_81, %ge3A_118 : vector<1x64xi32>
      %roll3A_120 = arith.constant 16 : i32
      %roll3A_121 = tpu.dynamic_rotate %add3A_116 by %roll3A_120 dim 1 : vector<1x64xi32>, i32 -> vector<1x64xi32>
      %jit3A_122 = arith.constant 0 : i32
      %broadcast_in_dim3A_123 = vector.broadcast %jit3A_122 : i32 to vector<1x64xi32>
      %select_n3A_124 = arith.select %ge3A_119, %roll3A_121, %broadcast_in_dim3A_123 : vector<1x64xi1>, vector<1x64xi32>
      %add3A_125 = arith.addi %add3A_116, %select_n3A_124 : vector<1x64xi32>
      %ge3A_126 = arith.constant 32 : i32
      %ge3A_127 = vector.broadcast %ge3A_126 : i32 to vector<1x64xi32>
      %ge3A_128 = arith.cmpi sge, %iota3A_81, %ge3A_127 : vector<1x64xi32>
      %roll3A_129 = arith.constant 32 : i32
      %roll3A_130 = tpu.dynamic_rotate %add3A_125 by %roll3A_129 dim 1 : vector<1x64xi32>, i32 -> vector<1x64xi32>
      %jit3A_131 = arith.constant 0 : i32
      %broadcast_in_dim3A_132 = vector.broadcast %jit3A_131 : i32 to vector<1x64xi32>
      %select_n3A_133 = arith.select %ge3A_128, %roll3A_130, %broadcast_in_dim3A_132 : vector<1x64xi1>, vector<1x64xi32>
      %add3A_134 = arith.addi %add3A_125, %select_n3A_133 : vector<1x64xi32>
      %sub3A_135 = arith.subi %add3A_134, %add3A_72 : vector<1x64xi32>
      %iota3A_136 = tpu.iota {dimensions = array<i32: 0>} : vector<16x64xi32>
      %mul3A_137 = arith.constant 128 : i32
      %mul3A_138 = vector.broadcast %mul3A_137 : i32 to vector<16x64xi32>
      %mul3A_139 = arith.muli %mul3A_138, %iota3A_136 : vector<16x64xi32>
      %broadcast_in_dim3A_140 = vector.shape_cast %add3A_134 : vector<1x64xi32> to vector<1x64xi32>
      %broadcast_in_dim3A_141 = vector.broadcast %broadcast_in_dim3A_140 : vector<1x64xi32> to vector<16x64xi32>
      %le3A = arith.cmpi sle, %broadcast_in_dim3A_141, %mul3A_139 : vector<16x64xi32>
      %convert_element_type3A_142 = arith.extui %le3A : vector<16x64xi1> to vector<16x64xi32>
      %reduce_sum3A_143 = arith.constant dense<0> : vector<16xi32>
      %reduce_sum3A_144 = vector.multi_reduction <add>, %convert_element_type3A_142, %reduce_sum3A_143 [1] : vector<16x64xi32> to vector<16xi32>
      %broadcast_in_dim3A_145 = vector.shape_cast %reduce_sum3A_144 : vector<16xi32> to vector<16x1xi32>
      %add3A_146 = arith.constant 127 : i32
      %add3A_147 = vector.broadcast %add3A_146 : i32 to vector<16x64xi32>
      %add3A_148 = arith.addi %mul3A_139, %add3A_147 : vector<16x64xi32>
      %le3A_149 = arith.cmpi sle, %broadcast_in_dim3A_141, %add3A_148 : vector<16x64xi32>
      %convert_element_type3A_150 = arith.extui %le3A_149 : vector<16x64xi1> to vector<16x64xi32>
      %reduce_sum3A_151 = arith.constant dense<0> : vector<16xi32>
      %reduce_sum3A_152 = vector.multi_reduction <add>, %convert_element_type3A_150, %reduce_sum3A_151 [1] : vector<16x64xi32> to vector<16xi32>
      %broadcast_in_dim3A_153 = vector.shape_cast %reduce_sum3A_152 : vector<16xi32> to vector<16x1xi32>
      %swap3A_154 = arith.constant 0 : index
      %swap3A_155 = arith.constant 0 : index
      %swap3A_156 = vector.load %arg8[%swap3A_154, %swap3A_155] : memref<1x64xi32, #tpu.memory_space<vmem>>, vector<1x64xi32>
      tpu.vector_store %arg8[%swap3A_154, %swap3A_155], %sub3A_135 {strides = array<i32>} : memref<1x64xi32, #tpu.memory_space<vmem>>, vector<1x64xi32>,
      %swap3A_157 = arith.constant 0 : index
      %swap3A_158 = arith.constant 0 : index
      %swap3A_159 = vector.load %arg9[%swap3A_157, %swap3A_158] : memref<16x1xi32, #tpu.memory_space<vmem>>, vector<16x1xi32>
      tpu.vector_store %arg9[%swap3A_157, %swap3A_158], %broadcast_in_dim3A_145 {strides = array<i32>} : memref<16x1xi32, #tpu.memory_space<vmem>>, vector<16x1xi32>,
      %swap3A_160 = arith.constant 0 : index
      %swap3A_161 = arith.constant 0 : index
      %swap3A_162 = vector.load %arg10[%swap3A_160, %swap3A_161] : memref<16x1xi32, #tpu.memory_space<vmem>>, vector<16x1xi32>
      tpu.vector_store %arg10[%swap3A_160, %swap3A_161], %broadcast_in_dim3A_153 {strides = array<i32>} : memref<16x1xi32, #tpu.memory_space<vmem>>, vector<16x1xi32>,
    } else {
    }
    return
  }
  func.func @transform_0(%arg0: i32) -> (i32, i32) {
    %c0_i32 = arith.constant 0 : i32
    %c0_i32_0 = arith.constant 0 : i32
    return %arg0, %c0_i32 : i32, i32
  }
  func.func @transform_1(%arg0: i32) -> (i32, i32) {
    %c0_i32 = arith.constant 0 : i32
    %c0_i32_0 = arith.constant 0 : i32
    %c0_i32_1 = arith.constant 0 : i32
    return %c0_i32, %c0_i32_0 : i32, i32
  }
  func.func @transform_2(%arg0: i32) -> (i32, i32) {
    %c0_i32 = arith.constant 0 : i32
    %c0_i32_0 = arith.constant 0 : i32
    %c0_i32_1 = arith.constant 0 : i32
    return %c0_i32, %c0_i32_0 : i32, i32
  }
  func.func @transform_3(%arg0: i32) -> (i32, i32) {
    %c0_i32 = arith.constant 0 : i32
    %c0_i32_0 = arith.constant 0 : i32
    %c0_i32_1 = arith.constant 0 : i32
    return %c0_i32, %c0_i32_0 : i32, i32
  }
  func.func @transform_4(%arg0: i32) -> (i32, i32) {
    %c0_i32 = arith.constant 0 : i32
    %c0_i32_0 = arith.constant 0 : i32
    return %arg0, %c0_i32 : i32, i32
  }
  func.func @transform_5(%arg0: i32) -> (i32, i32) {
    %c0_i32 = arith.constant 0 : i32
    %c0_i32_0 = arith.constant 0 : i32
    return %arg0, %c0_i32 : i32, i32
  }
  func.func @transform_6(%arg0: i32) -> (i32, i32) {
    %c0_i32 = arith.constant 0 : i32
    %c0_i32_0 = arith.constant 0 : i32
    return %arg0, %c0_i32 : i32, i32
  }
  func.func @transform_7(%arg0: i32) -> (i32, i32) {
    %c0_i32 = arith.constant 0 : i32
    %c0_i32_0 = arith.constant 0 : i32
    %c0_i32_1 = arith.constant 0 : i32
    return %c0_i32, %c0_i32_0 : i32, i32
  }
  func.func @transform_8(%arg0: i32) -> (i32, i32) {
    %c0_i32 = arith.constant 0 : i32
    %c0_i32_0 = arith.constant 0 : i32
    %c0_i32_1 = arith.constant 0 : i32
    return %c0_i32, %c0_i32_0 : i32, i32
  }
  func.func @transform_9(%arg0: i32) -> (i32, i32) {
    %c0_i32 = arith.constant 0 : i32
    %c0_i32_0 = arith.constant 0 : i32
    %c0_i32_1 = arith.constant 0 : i32
    return %c0_i32, %c0_i32_0 : i32, i32
  }
}

module attributes {stable_mosaic.version = 14 : i64} {
  func.func @_moe_body(%arg0: i32, %arg1: memref<96xi32, #tpu.memory_space<smem>>, %arg2: memref<128x768xf32, #tpu.memory_space<vmem>>, %arg3: memref<64x128x768xbf16, #tpu.memory_space<vmem>>, %arg4: memref<64x1x128xbf16, #tpu.memory_space<vmem>>, %arg5: memref<64x768x64xbf16, #tpu.memory_space<vmem>>, %arg6: memref<64x1x768xbf16, #tpu.memory_space<vmem>>, %arg7: memref<128x768xf32, #tpu.memory_space<vmem>>) attributes {dimension_semantics = [#tpu.dimension_semantics<arbitrary>], iteration_bounds = array<i64: 16>, scalar_prefetch = 1 : i64, scratch_operands = 0 : i64, tpu.core_type = #tpu.core_type<tc>, window_params = [{transform_indices = @transform_0, window_bounds = array<i64: 128, 768>}, {pipeline_mode = #tpu.pipeline_mode<synchronous>, transform_indices = @transform_1, window_bounds = array<i64: 64, 128, 768>}, {pipeline_mode = #tpu.pipeline_mode<synchronous>, transform_indices = @transform_2, window_bounds = array<i64: 64, 1, 128>}, {pipeline_mode = #tpu.pipeline_mode<synchronous>, transform_indices = @transform_3, window_bounds = array<i64: 64, 768, 64>}, {pipeline_mode = #tpu.pipeline_mode<synchronous>, transform_indices = @transform_4, window_bounds = array<i64: 64, 1, 768>}, {transform_indices = @transform_5, window_bounds = array<i64: 128, 768>}]} {
    %mul3A = arith.constant 128 : i32
    %mul3A_0 = arith.muli %arg0, %mul3A : i32
    %add3A = arith.constant 64 : i32
    %add3A_1 = arith.addi %add3A, %arg0 : i32
    %get3A = arith.index_cast %add3A_1 : i32 to index
    %get3A_2 = memref.load %arg1[%get3A] : memref<96xi32, #tpu.memory_space<smem>>
    %add3A_3 = arith.constant 80 : i32
    %add3A_4 = arith.addi %add3A_3, %arg0 : i32
    %get3A_5 = arith.index_cast %add3A_4 : i32 to index
    %get3A_6 = memref.load %arg1[%get3A_5] : memref<96xi32, #tpu.memory_space<smem>>
    %get3A_7 = arith.constant 0 : index
    %get3A_8 = arith.constant 0 : index
    %get3A_9 = vector.load %arg2[%get3A_7, %get3A_8] : memref<128x768xf32, #tpu.memory_space<vmem>>, vector<128x768xf32>
    %convert_element_type3A = arith.truncf %get3A_9 : vector<128x768xf32> to vector<128x768xbf16>
    %iota3A = tpu.iota {dimensions = array<i32: 0>} : vector<128x1xi32>
    %add3A_10 = vector.broadcast %mul3A_0 : i32 to vector<128x1xi32>
    %add3A_11 = arith.addi %add3A_10, %iota3A : vector<128x1xi32>
    %iota3A_12 = tpu.iota {dimensions = array<i32: 0>} : vector<128x64xi32>
    %iota3A_13 = tpu.iota {dimensions = array<i32: 1>} : vector<128x64xi32>
    %mul3A_14 = arith.constant 2 : i32
    %mul3A_15 = vector.broadcast %mul3A_14 : i32 to vector<128x64xi32>
    %mul3A_16 = arith.muli %mul3A_15, %iota3A_13 : vector<128x64xi32>
    %eq3A = arith.cmpi eq, %iota3A_12, %mul3A_16 : vector<128x64xi32>
    %convert_element_type3A_17 = arith.extui %eq3A : vector<128x64xi1> to vector<128x64xi32>
    %convert_element_type3A_18 = arith.sitofp %convert_element_type3A_17 : vector<128x64xi32> to vector<128x64xf32>
    %convert_element_type3A_19 = arith.truncf %convert_element_type3A_18 : vector<128x64xf32> to vector<128x64xbf16>
    %mul3A_20 = arith.constant 2 : i32
    %mul3A_21 = vector.broadcast %mul3A_20 : i32 to vector<128x64xi32>
    %mul3A_22 = arith.muli %mul3A_21, %iota3A_13 : vector<128x64xi32>
    %add3A_23 = arith.constant 1 : i32
    %add3A_24 = vector.broadcast %add3A_23 : i32 to vector<128x64xi32>
    %add3A_25 = arith.addi %mul3A_22, %add3A_24 : vector<128x64xi32>
    %eq3A_26 = arith.cmpi eq, %iota3A_12, %add3A_25 : vector<128x64xi32>
    %convert_element_type3A_27 = arith.extui %eq3A_26 : vector<128x64xi1> to vector<128x64xi32>
    %convert_element_type3A_28 = arith.sitofp %convert_element_type3A_27 : vector<128x64xi32> to vector<128x64xf32>
    %convert_element_type3A_29 = arith.truncf %convert_element_type3A_28 : vector<128x64xf32> to vector<128x64xbf16>
    %broadcast_in_dim3A = arith.constant 0.000000e+00 : f32
    %broadcast_in_dim3A_30 = vector.broadcast %broadcast_in_dim3A : f32 to vector<128x768xf32>
    %swap3A = arith.constant 0 : index
    %swap3A_31 = arith.constant 0 : index
    %swap3A_32 = vector.load %arg7[%swap3A, %swap3A_31] : memref<128x768xf32, #tpu.memory_space<vmem>>, vector<128x768xf32>
    tpu.vector_store %arg7[%swap3A, %swap3A_31], %broadcast_in_dim3A_30 {strides = array<i32>} : memref<128x768xf32, #tpu.memory_space<vmem>>, vector<128x768xf32>,
    %add3A_33 = arith.constant 1 : i32
    %add3A_34 = arith.addi %get3A_6, %add3A_33 : i32
    %while3A = arith.constant 0 : i32
    %while3A_35 = arith.subi %add3A_34, %get3A_2 : i32
    %while3A_36 = arith.addi %get3A_2, %while3A_35 : i32
    %while3A_37 = arith.constant 1 : i32
    %while3A_38 = arith.divsi %while3A_35, %while3A_37 : i32
    %while3A_39 = arith.muli %while3A_38, %while3A_37 : i32
    %while3A_40 = arith.addi %get3A_2, %while3A_39 : i32
    %while3A_41 = arith.constant 1 : i32
    %while3A_42 = scf.for %while3A_45 = %get3A_2 to %while3A_40 step %while3A_41 iter_args(%while3A_46 = %while3A) -> (i32)  : i32 {
      %get3A_47 = arith.index_cast %while3A_45 : i32 to index
      %get3A_48 = memref.load %arg1[%get3A_47] : memref<96xi32, #tpu.memory_space<smem>>
      %eq3A_49 = arith.constant 63 : i32
      %eq3A_50 = arith.cmpi eq, %while3A_45, %eq3A_49 : i32
      %add3A_51 = arith.constant 1 : i32
      %add3A_52 = arith.addi %while3A_45, %add3A_51 : i32
      %min3A = arith.constant 63 : i32
      %min3A_53 = arith.minsi %add3A_52, %min3A : i32
      %get3A_54 = arith.index_cast %min3A_53 : i32 to index
      %get3A_55 = memref.load %arg1[%get3A_54] : memref<96xi32, #tpu.memory_space<smem>>
      %jit3A = arith.constant 2048 : i32
      %select_n3A = arith.select %eq3A_50, %jit3A, %get3A_55 : i32
      %get3A_56 = arith.index_cast %while3A_45 : i32 to index
      %get3A_57 = arith.constant 0 : index
      %get3A_58 = arith.constant 0 : index
      %get3A_59 = vector.load %arg3[%get3A_56, %get3A_57, %get3A_58] : memref<64x128x768xbf16, #tpu.memory_space<vmem>>, vector<1x128x768xbf16>
      %get3A_60 = vector.shape_cast %get3A_59 : vector<1x128x768xbf16> to vector<128x768xbf16>
      %dot_general3A = arith.constant dense<0.000000e+00> : vector<128x128xf32>
      %dot_general3A_61 = tpu.matmul %convert_element_type3A, %get3A_60, %dot_general3A {dimension_numbers = #tpu.dot_dimension_numbers<[1], [1], [0], [0], [0, 0, 1, 0], [], []>, transpose_lhs_hint = false} : vector<128x768xbf16>, vector<128x768xbf16>, vector<128x128xf32> -> vector<128x128xf32>
      %get3A_62 = arith.index_cast %while3A_45 : i32 to index
      %get3A_63 = arith.constant 0 : index
      %get3A_64 = arith.constant 0 : index
      %get3A_65 = vector.load %arg4[%get3A_62, %get3A_63, %get3A_64] : memref<64x1x128xbf16, #tpu.memory_space<vmem>>, vector<1x1x128xbf16>
      %get3A_66 = vector.shape_cast %get3A_65 : vector<1x1x128xbf16> to vector<1x128xbf16>
      %convert_element_type3A_67 = arith.extf %get3A_66 : vector<1x128xbf16> to vector<1x128xf32>
      %add3A_68 = vector.broadcast %convert_element_type3A_67 : vector<1x128xf32> to vector<128x128xf32>
      %add3A_69 = arith.addf %dot_general3A_61, %add3A_68 : vector<128x128xf32>
      %convert_element_type3A_70 = arith.truncf %add3A_69 : vector<128x128xf32> to vector<128x128xbf16>
      %dot_general3A_71 = arith.constant dense<0.000000e+00> : vector<128x64xf32>
      %dot_general3A_72 = tpu.matmul %convert_element_type3A_70, %convert_element_type3A_19, %dot_general3A_71 {dimension_numbers = #tpu.dot_dimension_numbers<[1], [0], [0], [1], [0, 0, 1, 1], [], []>, transpose_lhs_hint = false} : vector<128x128xbf16>, vector<128x64xbf16>, vector<128x64xf32> -> vector<128x64xf32>
      %dot_general3A_73 = arith.constant dense<0.000000e+00> : vector<128x64xf32>
      %dot_general3A_74 = tpu.matmul %convert_element_type3A_70, %convert_element_type3A_29, %dot_general3A_73 {dimension_numbers = #tpu.dot_dimension_numbers<[1], [0], [0], [1], [0, 0, 1, 1], [], []>, transpose_lhs_hint = false} : vector<128x128xbf16>, vector<128x64xbf16>, vector<128x64xf32> -> vector<128x64xf32>
      %min3A_75 = arith.constant 7.000000e+00 : f32
      %min3A_76 = vector.broadcast %min3A_75 : f32 to vector<128x64xf32>
      %min3A_77 = arith.minimumf %dot_general3A_72, %min3A_76 : vector<128x64xf32>
      %jit3A_78 = arith.constant -7.000000e+00 : f32
      %jit3A_79 = arith.constant 7.000000e+00 : f32
      %max3A = vector.broadcast %jit3A_78 : f32 to vector<128x64xf32>
      %max3A_80 = arith.maximumf %max3A, %dot_general3A_74 : vector<128x64xf32>
      %min3A_81 = vector.broadcast %jit3A_79 : f32 to vector<128x64xf32>
      %min3A_82 = arith.minimumf %min3A_81, %max3A_80 : vector<128x64xf32>
      %mul3A_83 = arith.constant -1.702000e+00 : f32
      %mul3A_84 = vector.broadcast %mul3A_83 : f32 to vector<128x64xf32>
      %mul3A_85 = arith.mulf %mul3A_84, %min3A_77 : vector<128x64xf32>
      %exp3A = math.exp %mul3A_85 : vector<128x64xf32>
      %add3A_86 = arith.constant 1.000000e+00 : f32
      %add3A_87 = vector.broadcast %add3A_86 : f32 to vector<128x64xf32>
      %add3A_88 = arith.addf %add3A_87, %exp3A : vector<128x64xf32>
      %div3A = arith.constant 1.000000e+00 : f32
      %div3A_89 = vector.broadcast %div3A : f32 to vector<128x64xf32>
      %div3A_90 = arith.divf %div3A_89, %add3A_88 : vector<128x64xf32>
      %mul3A_91 = arith.mulf %min3A_77, %div3A_90 : vector<128x64xf32>
      %add3A_92 = arith.constant 1.000000e+00 : f32
      %add3A_93 = vector.broadcast %add3A_92 : f32 to vector<128x64xf32>
      %add3A_94 = arith.addf %min3A_82, %add3A_93 : vector<128x64xf32>
      %mul3A_95 = arith.mulf %mul3A_91, %add3A_94 : vector<128x64xf32>
      %convert_element_type3A_96 = arith.truncf %mul3A_95 : vector<128x64xf32> to vector<128x64xbf16>
      %get3A_97 = arith.index_cast %while3A_45 : i32 to index
      %get3A_98 = arith.constant 0 : index
      %get3A_99 = arith.constant 0 : index
      %get3A_100 = vector.load %arg5[%get3A_97, %get3A_98, %get3A_99] : memref<64x768x64xbf16, #tpu.memory_space<vmem>>, vector<1x768x64xbf16>
      %get3A_101 = vector.shape_cast %get3A_100 : vector<1x768x64xbf16> to vector<768x64xbf16>
      %dot_general3A_102 = arith.constant dense<0.000000e+00> : vector<128x768xf32>
      %dot_general3A_103 = tpu.matmul %convert_element_type3A_96, %get3A_101, %dot_general3A_102 {dimension_numbers = #tpu.dot_dimension_numbers<[1], [1], [0], [0], [0, 0, 1, 0], [], []>, transpose_lhs_hint = false} : vector<128x64xbf16>, vector<768x64xbf16>, vector<128x768xf32> -> vector<128x768xf32>
      %get3A_104 = arith.index_cast %while3A_45 : i32 to index
      %get3A_105 = arith.constant 0 : index
      %get3A_106 = arith.constant 0 : index
      %get3A_107 = vector.load %arg6[%get3A_104, %get3A_105, %get3A_106] : memref<64x1x768xbf16, #tpu.memory_space<vmem>>, vector<1x1x768xbf16>
      %get3A_108 = vector.shape_cast %get3A_107 : vector<1x1x768xbf16> to vector<1x768xbf16>
      %convert_element_type3A_109 = arith.extf %get3A_108 : vector<1x768xbf16> to vector<1x768xf32>
      %add3A_110 = vector.broadcast %convert_element_type3A_109 : vector<1x768xf32> to vector<128x768xf32>
      %add3A_111 = arith.addf %dot_general3A_103, %add3A_110 : vector<128x768xf32>
      %ge3A = vector.broadcast %get3A_48 : i32 to vector<128x1xi32>
      %ge3A_112 = arith.cmpi sge, %add3A_11, %ge3A : vector<128x1xi32>
      %lt3A = vector.broadcast %select_n3A : i32 to vector<128x1xi32>
      %lt3A_113 = arith.cmpi slt, %add3A_11, %lt3A : vector<128x1xi32>
      %and3A = arith.andi %ge3A_112, %lt3A_113 : vector<128x1xi1>
      %get3A_114 = arith.constant 0 : index
      %get3A_115 = arith.constant 0 : index
      %get3A_116 = vector.load %arg7[%get3A_114, %get3A_115] : memref<128x768xf32, #tpu.memory_space<vmem>>, vector<128x768xf32>
      %jit3A_117 = arith.constant 0.000000e+00 : f32
      %broadcast_in_dim3A_118 = vector.shape_cast %and3A : vector<128x1xi1> to vector<128x1xi1>
      %broadcast_in_dim3A_119 = vector.broadcast %broadcast_in_dim3A_118 : vector<128x1xi1> to vector<128x768xi1>
      %broadcast_in_dim3A_120 = vector.broadcast %jit3A_117 : f32 to vector<128x768xf32>
      %select_n3A_121 = arith.select %broadcast_in_dim3A_119, %add3A_111, %broadcast_in_dim3A_120 : vector<128x768xi1>, vector<128x768xf32>
      %add3A_122 = arith.addf %get3A_116, %select_n3A_121 : vector<128x768xf32>
      %swap3A_123 = arith.constant 0 : index
      %swap3A_124 = arith.constant 0 : index
      %swap3A_125 = vector.load %arg7[%swap3A_123, %swap3A_124] : memref<128x768xf32, #tpu.memory_space<vmem>>, vector<128x768xf32>
      tpu.vector_store %arg7[%swap3A_123, %swap3A_124], %add3A_122 {strides = array<i32>} : memref<128x768xf32, #tpu.memory_space<vmem>>, vector<128x768xf32>,
      %while3A_126 = arith.constant 0 : i32
      scf.yield %while3A_126 : i32
    }
    %while3A_43 = arith.constant 1 : i32
    %while3A_44 = scf.for %while3A_45 = %while3A_40 to %while3A_36 step %while3A_43 iter_args(%while3A_46 = %while3A_42) -> (i32)  : i32 {
      %get3A_47 = arith.index_cast %while3A_45 : i32 to index
      %get3A_48 = memref.load %arg1[%get3A_47] : memref<96xi32, #tpu.memory_space<smem>>
      %eq3A_49 = arith.constant 63 : i32
      %eq3A_50 = arith.cmpi eq, %while3A_45, %eq3A_49 : i32
      %add3A_51 = arith.constant 1 : i32
      %add3A_52 = arith.addi %while3A_45, %add3A_51 : i32
      %min3A = arith.constant 63 : i32
      %min3A_53 = arith.minsi %add3A_52, %min3A : i32
      %get3A_54 = arith.index_cast %min3A_53 : i32 to index
      %get3A_55 = memref.load %arg1[%get3A_54] : memref<96xi32, #tpu.memory_space<smem>>
      %jit3A = arith.constant 2048 : i32
      %select_n3A = arith.select %eq3A_50, %jit3A, %get3A_55 : i32
      %get3A_56 = arith.index_cast %while3A_45 : i32 to index
      %get3A_57 = arith.constant 0 : index
      %get3A_58 = arith.constant 0 : index
      %get3A_59 = vector.load %arg3[%get3A_56, %get3A_57, %get3A_58] : memref<64x128x768xbf16, #tpu.memory_space<vmem>>, vector<1x128x768xbf16>
      %get3A_60 = vector.shape_cast %get3A_59 : vector<1x128x768xbf16> to vector<128x768xbf16>
      %dot_general3A = arith.constant dense<0.000000e+00> : vector<128x128xf32>
      %dot_general3A_61 = tpu.matmul %convert_element_type3A, %get3A_60, %dot_general3A {dimension_numbers = #tpu.dot_dimension_numbers<[1], [1], [0], [0], [0, 0, 1, 0], [], []>, transpose_lhs_hint = false} : vector<128x768xbf16>, vector<128x768xbf16>, vector<128x128xf32> -> vector<128x128xf32>
      %get3A_62 = arith.index_cast %while3A_45 : i32 to index
      %get3A_63 = arith.constant 0 : index
      %get3A_64 = arith.constant 0 : index
      %get3A_65 = vector.load %arg4[%get3A_62, %get3A_63, %get3A_64] : memref<64x1x128xbf16, #tpu.memory_space<vmem>>, vector<1x1x128xbf16>
      %get3A_66 = vector.shape_cast %get3A_65 : vector<1x1x128xbf16> to vector<1x128xbf16>
      %convert_element_type3A_67 = arith.extf %get3A_66 : vector<1x128xbf16> to vector<1x128xf32>
      %add3A_68 = vector.broadcast %convert_element_type3A_67 : vector<1x128xf32> to vector<128x128xf32>
      %add3A_69 = arith.addf %dot_general3A_61, %add3A_68 : vector<128x128xf32>
      %convert_element_type3A_70 = arith.truncf %add3A_69 : vector<128x128xf32> to vector<128x128xbf16>
      %dot_general3A_71 = arith.constant dense<0.000000e+00> : vector<128x64xf32>
      %dot_general3A_72 = tpu.matmul %convert_element_type3A_70, %convert_element_type3A_19, %dot_general3A_71 {dimension_numbers = #tpu.dot_dimension_numbers<[1], [0], [0], [1], [0, 0, 1, 1], [], []>, transpose_lhs_hint = false} : vector<128x128xbf16>, vector<128x64xbf16>, vector<128x64xf32> -> vector<128x64xf32>
      %dot_general3A_73 = arith.constant dense<0.000000e+00> : vector<128x64xf32>
      %dot_general3A_74 = tpu.matmul %convert_element_type3A_70, %convert_element_type3A_29, %dot_general3A_73 {dimension_numbers = #tpu.dot_dimension_numbers<[1], [0], [0], [1], [0, 0, 1, 1], [], []>, transpose_lhs_hint = false} : vector<128x128xbf16>, vector<128x64xbf16>, vector<128x64xf32> -> vector<128x64xf32>
      %min3A_75 = arith.constant 7.000000e+00 : f32
      %min3A_76 = vector.broadcast %min3A_75 : f32 to vector<128x64xf32>
      %min3A_77 = arith.minimumf %dot_general3A_72, %min3A_76 : vector<128x64xf32>
      %jit3A_78 = arith.constant -7.000000e+00 : f32
      %jit3A_79 = arith.constant 7.000000e+00 : f32
      %max3A = vector.broadcast %jit3A_78 : f32 to vector<128x64xf32>
      %max3A_80 = arith.maximumf %max3A, %dot_general3A_74 : vector<128x64xf32>
      %min3A_81 = vector.broadcast %jit3A_79 : f32 to vector<128x64xf32>
      %min3A_82 = arith.minimumf %min3A_81, %max3A_80 : vector<128x64xf32>
      %mul3A_83 = arith.constant -1.702000e+00 : f32
      %mul3A_84 = vector.broadcast %mul3A_83 : f32 to vector<128x64xf32>
      %mul3A_85 = arith.mulf %mul3A_84, %min3A_77 : vector<128x64xf32>
      %exp3A = math.exp %mul3A_85 : vector<128x64xf32>
      %add3A_86 = arith.constant 1.000000e+00 : f32
      %add3A_87 = vector.broadcast %add3A_86 : f32 to vector<128x64xf32>
      %add3A_88 = arith.addf %add3A_87, %exp3A : vector<128x64xf32>
      %div3A = arith.constant 1.000000e+00 : f32
      %div3A_89 = vector.broadcast %div3A : f32 to vector<128x64xf32>
      %div3A_90 = arith.divf %div3A_89, %add3A_88 : vector<128x64xf32>
      %mul3A_91 = arith.mulf %min3A_77, %div3A_90 : vector<128x64xf32>
      %add3A_92 = arith.constant 1.000000e+00 : f32
      %add3A_93 = vector.broadcast %add3A_92 : f32 to vector<128x64xf32>
      %add3A_94 = arith.addf %min3A_82, %add3A_93 : vector<128x64xf32>
      %mul3A_95 = arith.mulf %mul3A_91, %add3A_94 : vector<128x64xf32>
      %convert_element_type3A_96 = arith.truncf %mul3A_95 : vector<128x64xf32> to vector<128x64xbf16>
      %get3A_97 = arith.index_cast %while3A_45 : i32 to index
      %get3A_98 = arith.constant 0 : index
      %get3A_99 = arith.constant 0 : index
      %get3A_100 = vector.load %arg5[%get3A_97, %get3A_98, %get3A_99] : memref<64x768x64xbf16, #tpu.memory_space<vmem>>, vector<1x768x64xbf16>
      %get3A_101 = vector.shape_cast %get3A_100 : vector<1x768x64xbf16> to vector<768x64xbf16>
      %dot_general3A_102 = arith.constant dense<0.000000e+00> : vector<128x768xf32>
      %dot_general3A_103 = tpu.matmul %convert_element_type3A_96, %get3A_101, %dot_general3A_102 {dimension_numbers = #tpu.dot_dimension_numbers<[1], [1], [0], [0], [0, 0, 1, 0], [], []>, transpose_lhs_hint = false} : vector<128x64xbf16>, vector<768x64xbf16>, vector<128x768xf32> -> vector<128x768xf32>
      %get3A_104 = arith.index_cast %while3A_45 : i32 to index
      %get3A_105 = arith.constant 0 : index
      %get3A_106 = arith.constant 0 : index
      %get3A_107 = vector.load %arg6[%get3A_104, %get3A_105, %get3A_106] : memref<64x1x768xbf16, #tpu.memory_space<vmem>>, vector<1x1x768xbf16>
      %get3A_108 = vector.shape_cast %get3A_107 : vector<1x1x768xbf16> to vector<1x768xbf16>
      %convert_element_type3A_109 = arith.extf %get3A_108 : vector<1x768xbf16> to vector<1x768xf32>
      %add3A_110 = vector.broadcast %convert_element_type3A_109 : vector<1x768xf32> to vector<128x768xf32>
      %add3A_111 = arith.addf %dot_general3A_103, %add3A_110 : vector<128x768xf32>
      %ge3A = vector.broadcast %get3A_48 : i32 to vector<128x1xi32>
      %ge3A_112 = arith.cmpi sge, %add3A_11, %ge3A : vector<128x1xi32>
      %lt3A = vector.broadcast %select_n3A : i32 to vector<128x1xi32>
      %lt3A_113 = arith.cmpi slt, %add3A_11, %lt3A : vector<128x1xi32>
      %and3A = arith.andi %ge3A_112, %lt3A_113 : vector<128x1xi1>
      %get3A_114 = arith.constant 0 : index
      %get3A_115 = arith.constant 0 : index
      %get3A_116 = vector.load %arg7[%get3A_114, %get3A_115] : memref<128x768xf32, #tpu.memory_space<vmem>>, vector<128x768xf32>
      %jit3A_117 = arith.constant 0.000000e+00 : f32
      %broadcast_in_dim3A_118 = vector.shape_cast %and3A : vector<128x1xi1> to vector<128x1xi1>
      %broadcast_in_dim3A_119 = vector.broadcast %broadcast_in_dim3A_118 : vector<128x1xi1> to vector<128x768xi1>
      %broadcast_in_dim3A_120 = vector.broadcast %jit3A_117 : f32 to vector<128x768xf32>
      %select_n3A_121 = arith.select %broadcast_in_dim3A_119, %add3A_111, %broadcast_in_dim3A_120 : vector<128x768xi1>, vector<128x768xf32>
      %add3A_122 = arith.addf %get3A_116, %select_n3A_121 : vector<128x768xf32>
      %swap3A_123 = arith.constant 0 : index
      %swap3A_124 = arith.constant 0 : index
      %swap3A_125 = vector.load %arg7[%swap3A_123, %swap3A_124] : memref<128x768xf32, #tpu.memory_space<vmem>>, vector<128x768xf32>
      tpu.vector_store %arg7[%swap3A_123, %swap3A_124], %add3A_122 {strides = array<i32>} : memref<128x768xf32, #tpu.memory_space<vmem>>, vector<128x768xf32>,
      %while3A_126 = arith.constant 0 : i32
      scf.yield %while3A_126 : i32
    }
    return
  }
  func.func @transform_0(%arg0: i32, %arg1: memref<96xi32, #tpu.memory_space<smem>>) -> (i32, i32) {
    %c0_i32 = arith.constant 0 : i32
    %c0_i32_0 = arith.constant 0 : i32
    return %arg0, %c0_i32 : i32, i32
  }
  func.func @transform_1(%arg0: i32, %arg1: memref<96xi32, #tpu.memory_space<smem>>) -> (i32, i32, i32) {
    %c0_i32 = arith.constant 0 : i32
    %c0_i32_0 = arith.constant 0 : i32
    %c0_i32_1 = arith.constant 0 : i32
    %c0_i32_2 = arith.constant 0 : i32
    return %c0_i32, %c0_i32_0, %c0_i32_1 : i32, i32, i32
  }
  func.func @transform_2(%arg0: i32, %arg1: memref<96xi32, #tpu.memory_space<smem>>) -> (i32, i32, i32) {
    %c0_i32 = arith.constant 0 : i32
    %c0_i32_0 = arith.constant 0 : i32
    %c0_i32_1 = arith.constant 0 : i32
    %c0_i32_2 = arith.constant 0 : i32
    return %c0_i32, %c0_i32_0, %c0_i32_1 : i32, i32, i32
  }
  func.func @transform_3(%arg0: i32, %arg1: memref<96xi32, #tpu.memory_space<smem>>) -> (i32, i32, i32) {
    %c0_i32 = arith.constant 0 : i32
    %c0_i32_0 = arith.constant 0 : i32
    %c0_i32_1 = arith.constant 0 : i32
    %c0_i32_2 = arith.constant 0 : i32
    return %c0_i32, %c0_i32_0, %c0_i32_1 : i32, i32, i32
  }
  func.func @transform_4(%arg0: i32, %arg1: memref<96xi32, #tpu.memory_space<smem>>) -> (i32, i32, i32) {
    %c0_i32 = arith.constant 0 : i32
    %c0_i32_0 = arith.constant 0 : i32
    %c0_i32_1 = arith.constant 0 : i32
    %c0_i32_2 = arith.constant 0 : i32
    return %c0_i32, %c0_i32_0, %c0_i32_1 : i32, i32, i32
  }
  func.func @transform_5(%arg0: i32, %arg1: memref<96xi32, #tpu.memory_space<smem>>) -> (i32, i32) {
    %c0_i32 = arith.constant 0 : i32
    %c0_i32_0 = arith.constant 0 : i32
    return %arg0, %c0_i32 : i32, i32
  }
}

</mosaic_0001>

<sc_bundles>
// kernel: kernel.6.cloned.1.call-start
scs
__scs_entry_jumppad:
0x0: {  	(pc) =	sbr.rel $0x88, $3  }
0x1: {  	(tag) =	ssettag $0x0;
	lr =	simm.s32 $0x1  }
0x2: {  	[smem:$0x3F99] =	sst lr;
	_ =	strace $0xD0000000  }
0x3: {  	_ = 	snop  }
0x4: {  	_ = 	snop  }
0x5: {  	_ = 	snop  }
0x6: {  	_ = 	snop  }
0x7: {  	_ = 	snop  }
__scs_overlays_trampoline_lowered:
0x8: {  	[smem:$0x3FA8] =	sst s0  }
0x9: {  	[smem:$0x3FA9] =	sst s1  }
0xa: {  	[smem:$0x3FAA] =	sst s2  }
0xb: {  	[smem:$0x3FAB] =	sst s3  }
0xc: {  	[smem:$0x3FAC] =	sst s4  }
0xd: {  	[smem:$0x3FAD] =	sst s5  }
0xe: {  	[smem:$0x3FAE] =	sst s6  }
0xf: {  	[smem:$0x3FAF] =	sst s7  }
0x10: {  	[smem:$0x3FB0] =	sst s8  }
0x11: {  	[smem:$0x3FB1] =	sst s9;
	s0 =	simm.s32 @!p0 $0x0  }
0x12: {  	s1 =	sld [smem:$0x3F97];
	s0 =	simm.s32 @p0 $0x1  }
0x13: {  	[smem:$0x3FB2] =	sst s0;
	s0 =	simm.s32 @!p1 $0x0  }
0x14: {  	s2 =	sld [smem:$0x3F96];
	s0 =	simm.s32 @p1 $0x1  }
0x15: {  	[smem:$0x3FB3] =	sst s0;
	s0 =	simm.s32 @!p2 $0x0  }
0x16: {  	s3 =	sld [smem:$0x3FDB];
	s0 =	simm.s32 @p2 $0x1  }
0x17: {  	s4 =	simm.s32 $0x1BF5;
	[smem:$0x3FB5] =	sst s0  }
0x18: {  	s0 =	sld [smem:$0x3F98];
	_ =	swait.ge [sflag:s4], $0x0  }
0x19: {  	s7 =	sld [smem:$0x3F99]  }
0x1a: {  	s8 =	sadd.s32 $0xFFFFE003, lr  }
0x1b: {  	s9 =	sadd.s32 $0xFFFFFEF7, lr;
	s5 =	simm.s32 $0xFFFFFFFF;
	p2 =	slt.u32 s8, $0xFFFFF086  }
0x1c: {  	p1 =	slt.u32 s9, $0xF7A;
	s5 =	simm.s32 @!p2 $0x0  }
0x1d: {  	s5 =	simm.s32 @p1 $0x1;
	p0 =	seq.s32 s7, s2  }
0x1e: {  	s7 =	smul.u32 @!p0 $0xF7A, s2;
	p2 =	seq.s32 @!p0 s5, $0x0  }
0x1f: {  	s9 =	smul.u32 $0xF7A, s1;
	s8 =	simm.s32 @!p0 $0x1BF5;
	p2 =	por !p2, p0  }
0x20: {  	[sflag:s8] =	ssyncset.s32 @!p0 $0xFFFFF086;
	s6 =	sadd.s32 @!p0 s3, s7;
	s7 =	simm.s32 @!p0 $0x108  }
0x21: {  	s3 =	sadd.s32 s3, s9;
	s6 =	sadd.s32 @!p0 $0x88, s6;
	s7 =	simm.s32 @p2 $0x1082  }
0x22: {  	[simem:s7], [sflag:s8] =	dma.local @!p0 [hbm:s6], $0xF7A  }
0x23: {  	s9 =	sor.u32 $0xD0000000, s2;
	s6 =	simm.s32 $0x108;
	_ =	swait.ge @!p0 [sflag:s8], $0x0  }
0x24: {  	s3 =	sadd.s32 $0x88, s3;
	s6 =	simm.s32 @!p1 $0x1082;
	[sflag:s4] =	ssyncset.s32 $0xFFFFF086  }
0x25: {  	[simem:s6], [sflag:s4] =	dma.local [hbm:s3], $0xF7A  }
0x26: {  	[smem:$0x3F99] =	sst s1;
	(tag) =	ssettag s2;
	_ =	strace s9  }
0x27: {  	s1 =	sld [smem:$0x3FA9]  }
0x28: {  	s2 =	sld [smem:$0x3FAA]  }
0x29: {  	s4 =	sld [smem:$0x3FAC]  }
0x2a: {  	p0 =	seq.s32 s5, $0x0;
	s5 =	sld [smem:$0x3FAD]  }
0x2b: {  	s6 =	sld [smem:$0x3FAE]  }
0x2c: {  	s7 =	sld [smem:$0x3FAF]  }
0x2d: {  	s3 =	simm.s32 $0x108;
	s8 =	sld [smem:$0x3FB0]  }
0x2e: {  	s3 =	simm.s32 @!p0 $0x1082;
	s9 =	sld [smem:$0x3FB1]  }
0x2f: {  	lr =	sadd.s32 s0, s3;
	s0 =	sld [smem:$0x3FA8]  }
0x30: {  	s3 =	sld [smem:$0x3FAB]  }
0x31: {  	[smem:$0x3FB4] =	sst s10  }
0x32: {  	s10 =	sld [smem:$0x3FB2];
	_ =	sdelay $0x3  }
0x33: {  	p0 =	seq.s32 s10, $0x1;
	s10 =	sld [smem:$0x3FB4];
	_ =	sdelay $0x3  }
0x34: {  	[smem:$0x3FB4] =	sst s10  }
0x35: {  	s10 =	sld [smem:$0x3FB3];
	_ =	sdelay $0x3  }
0x36: {  	p1 =	seq.s32 s10, $0x1;
	s10 =	sld [smem:$0x3FB4];
	_ =	sdelay $0x3  }
0x37: {  	[smem:$0x3FB4] =	sst s10  }
0x38: {  	s10 =	sld [smem:$0x3FB5]  }
0x39: {  	_ = 	snop;
	(pc) =	sbr.ind lr, $3  }
0x3a: {  	_ = 	snop  }
0x3b: {  	_ = 	snop  }
0x3c: {  	p2 =	seq.s32 s10, $0x1;
	s10 =	sld [smem:$0x3FB4]  }
0x3d: {  	_ =	shalt  }
0x3e: {  	_ =	shalt  }
0x3f: {  	_ =	shalt  }
0x40: {  	_ =	shalt  }
0x41: {  	_ =	shalt  }
0x42: {  	_ =	shalt  }
0x43: {  	_ =	shalt  }
0x44: {  	_ =	shalt  }
0x45: {  	_ =	shalt  }
0x46: {  	_ =	shalt  }
0x47: {  	_ =	shalt  }
0x48: {  	_ =	shalt  }
0x49: {  	_ =	shalt  }
0x4a: {  	_ =	shalt  }
0x4b: {  	_ =	shalt  }
0x4c: {  	_ =	shalt  }
0x4d: {  	_ =	shalt  }
0x4e: {  	_ =	shalt  }
0x4f: {  	_ =	shalt  }
0x50: {  	_ =	shalt  }
0x51: {  	_ =	shalt  }
0x52: {  	_ =	shalt  }
0x53: {  	_ =	shalt  }
0x54: {  	_ =	shalt  }
0x55: {  	_ =	shalt  }
0x56: {  	_ =	shalt  }
0x57: {  	_ =	shalt  }
0x58: {  	_ =	shalt  }
0x59: {  	_ =	shalt  }
0x5a: {  	_ =	shalt  }
0x5b: {  	_ =	shalt  }
0x5c: {  	_ =	shalt  }
0x5d: {  	_ =	shalt  }
0x5e: {  	_ =	shalt  }
0x5f: {  	_ =	shalt  }
0x60: {  	_ =	shalt  }
0x61: {  	_ =	shalt  }
0x62: {  	_ =	shalt  }
0x63: {  	_ =	shalt  }
0x64: {  	_ =	shalt  }
0x65: {  	_ =	shalt  }
0x66: {  	_ =	shalt  }
0x67: {  	_ =	shalt  }
0x68: {  	_ =	shalt  }
0x69: {  	_ =	shalt  }
0x6a: {  	_ =	shalt  }
0x6b: {  	_ =	shalt  }
0x6c: {  	_ =	shalt  }
0x6d: {  	_ =	shalt  }
0x6e: {  	_ =	shalt  }
0x6f: {  	_ =	shalt  }
0x70: {  	_ =	shalt  }
0x71: {  	_ =	shalt  }
0x72: {  	_ =	shalt  }
0x73: {  	_ =	shalt  }
0x74: {  	_ =	shalt  }
0x75: {  	_ =	shalt  }
0x76: {  	_ =	shalt  }
0x77: {  	_ =	shalt  }
0x78: {  	_ =	shalt  }
0x79: {  	_ =	shalt  }
0x7a: {  	_ =	shalt  }
0x7b: {  	_ =	shalt  }
0x7c: {  	_ =	shalt  }
0x7d: {  	_ =	shalt  }
0x7e: {  	_ =	shalt  }
0x7f: {  	_ =	shalt  }
0x80: {  	_ =	shalt  }
0x81: {  	_ =	shalt  }
0x82: {  	_ =	shalt  }
0x83: {  	_ =	shalt  }
0x84: {  	_ =	shalt  }
0x85: {  	_ =	shalt  }
0x86: {  	_ =	shalt  }
0x87: {  	_ =	shalt  }
.Lfunc_end0:
.L_simem_size_0:
called_computation_lowered:
.L_overlay_start_0:
0x88: {  	s2 =	sld [smem:$0x3FD9]  }
0x89: {  	s3 =	sld [smem:$0x3FFE];
	_ =	sdelay $0x1  }
0x8a: {  	s1 =	srdreg.scid  }
0x8b: {  	s0 =	sand.u32 $0x1, s1  }
0x8c: {  	s17 =	sshll.u32 s0, $0xA;
	s2 =	sadd.s32 s3, s2  }
0x8d: {  	s2 =	sadd.s32 s2, s17  }
0x8e: {  	[smem:$0x3FC0] =	sst s2  }
0x8f: {  	_ = 	snop  }
0x90: {  	s2 =	sld [smem:$0x3FD0];
	(tm) =	ssettm $0x1  }
0x91: {  	s18 =	sld [smem:$0x3FFB];
	_ =	sdelay $0x3  }
0x92: {  	_ =	strace s18  }
0x93: {  	s3 =	sld [smem:$0x3FFC];
	_ =	sdelay $0x3  }
0x94: {  	_ =	strace s3  }
0x95: {  	s3 =	sld [smem:$0x3FFD];
	_ =	sdelay $0x3  }
0x96: {  	_ =	strace s3  }
0x97: {  	_ =	strace $0x8FFFFFFF  }
0x98: {  	s19 =	sld [smem:$0x3FDB];
	_ =	sdelay $0x1  }
0x99: {  	s4 =	simm.s32 $_scs_section_size  }
0x9a: {  	s5 =	simm.s32 $_size__tile_overlayer_lowered;
	s6 =	simm.s32 $_tile_overlayer_lowered  }
0x9b: {  	s22 =	simm.s32 $0x1BFF;
	s21 =	sshll.u32 s6, $0x1;
	s3 =	sadd.s32 s4, s19  }
0x9c: {  	s7 =	simm.s32 $0x0;
	s20 =	sshll.u32 s5, $0x1;
	s5 =	sadd.s32 s21, s3  }
0x9d: {  	[timem:s7], [sflag:s22] =	dma.local [hbm:s5], s20  }
0x9e: {  	_ =	swait.ge [sflag:s22], s20  }
0x9f: {  	s4 =	ssub.s32 $0x0, s20;
	[sflag:s22] =	ssyncset.done $0x0  }
0xa0: {  	[sflag:s22] =	ssyncadd.s32 s4;
	_ =	sdelay $0x1  }
0xa1: {  	s23 =	simm.s32 $0x1B8B  }
0xa2: {  	_ =	swait.ge [sflag:s23], $0x1  }
0xa3: {  	[sflag:s23] =	ssyncset.done $0x0  }
0xa4: {  	s25 =	simm.s32 $0x1B8E;
	s24 =	sld [smem:$0x3FFE];
	[sflag:s23] =	ssyncadd.s32 $0xFFFFFFFF  }
0xa5: {  	s26 =	simm.s32 $execute0_lowered;
	[smem:$0x3FD2] =	sst s25  }
0xa6: {  	s5 =	sshll.u32 s26, $0x1;
	_ =	strace $0x80000046;
	[dreg:$0x1] =	wrdreg $0xFFFFFFFF  }
0xa7: {  	s28 =	simm.s32 $_size_execute0_lowered;
	s3 =	sadd.s32 s3, s5;
	[dreg:$0x0] =	wrdreg $0x0  }
0xa8: {  	s5 =	sshll.u32 s28, $0x1;
	[dreg:$0x2] =	wrdreg s3  }
0xa9: {  	[dreg:$0x3] =	wrdreg s5  }
0xaa: {  	[dreg:$0x4] =	wrdreg $0xC0  }
0xab: {  	_ =	task [dreg:s7], $0x5FFFF  }
0xac: {  	[dreg:$0x1] =	wrdreg $0xFFFFFFFF  }
0xad: {  	[dreg:$0x0] =	wrdreg $0x60  }
0xae: {  	[dreg:$0x2] =	wrdreg s2  }
0xaf: {  	[dreg:$0x3] =	wrdreg s24  }
0xb0: {  	[dreg:$0x4] =	wrdreg $0x9  }
0xb1: {  	_ =	task.clear_ibuf [dreg:s7], $0x5FFFF;
	_ =	strace $0x90000046  }
0xb2: {  	s29 =	simm.s32 $0x9;
	_ =	strace $0x80000048  }
0xb3: {  	_ =	swait.ge [sflag:s29], $0x1  }
0xb4: {  	[sflag:s29] =	ssyncadd.s32 $0xFFFFFFFF  }
0xb5: {  	_ =	strace $0x90000048  }
0xb6: {  	_ =	sfence  }
0xb7: {  	s30 =	sld [smem:$0x0];
	_ =	sdelay $0x2  }
0xb8: {  	s31 =	sshll.u32 s1, $0xD;
	s1 =	sshrl.u32 s1, $0x2  }
0xb9: {  	s3 =	sand.u32 $0x4000, s31;
	s1 =	sadd.s32 s1, s30  }
0xba: {  	s0 =	sor.u32 s3, s0;
	s1 =	sshll.u32 s1, $0x11  }
0xbb: {  	s0 =	sor.u32 s1, s0  }
0xbc: {  	s0 =	sadd.s32 $0x8F2B, s0  }
0xbd: {  	[sflag:s0] =	ssyncadd.remote.s32 $0x1  }
0xbe: {  	_ =	sfence.sel $0xFFFF  }
0xbf: {  	[dreg:$0x0] =	wrdreg $0xFFFFFFFF;
	(pc) =	sbr.abs _section_cstart, $3  }
0xc0: {  	[dreg:$0x1] =	wrdreg $0xFFFFFFFF  }
0xc1: {  	_ =	task.clear_ibuf [dreg:s7], $0x2FFFF;
	_ =	strace $0x9FFFFFFF  }
0xc2: {  	(tm) =	ssettm $0x7FFFFFFF  }
0xc3: {  	_ =	shalt  }
tec
execute0_lowered:
.L_overlay_start_1:
0x0: {  	(tag) =	ssettag $0x1  }
0x1: {  	s0 =	rddreg [dreg:$0x0]  }
0x2: {  	s5 =	rddreg [dreg:$0x1]  }
0x3: {  	s2 =	srdreg.scid;
	s1 =	stileid.u32  }
0x4: {  	s22 =	simm.s32 $0x80;
	s23 =	simm.s32 $0x100;
	s24 =	simm.s32 $0x180  }
0x5: {  	s25 =	simm.s32 $0xA00;
	s8 =	simm.s32 $0x3;
	s26 =	simm.s32 $0x1200  }
0x6: {  	s9 =	simm.s32 $0x2;
	s11 =	simm.s32 $0x2200;
	s12 =	simm.s32 $0x2A00  }
0x7: {  	s13 =	simm.s32 $0x3200;
	s14 =	simm.s32 $0x3A00;
	s15 =	simm.s32 $0x4200  }
0x8: {  	s16 =	simm.s32 $0x4A00;
	s4 =	sand.u32 $0x1, s2;
	s2 =	simm.s32 $0x0  }
0x9: {  	s28 =	simm.s32 $0xA200;
	s17 =	sadd.s32 $0x1A00, s5;
	[smem:$0x7FF] =	sst s2  }
0xa: {  	s29 =	simm.s32 $0xAA00;
	_ =	strace $0x80000047;
	[dreg:$0x3] =	wrdreg s17  }
0xb: {  	s30 =	simm.s32 $0xB200;
	s31 =	simm.s32 $0xBA00;
	[dreg:$0x8] =	wrdreg s22  }
0xc: {  	s3 =	sshll.u32 s1, $0x4;
	s6 =	sshll.u32 s4, $0x3;
	[dreg:$0x9] =	wrdreg s23  }
0xd: {  	s4 =	ssub.s32 $0x2, s4;
	s6 =	sor.u32 s6, s3;
	[dreg:$0xa] =	wrdreg s24  }
0xe: {  	s3 =	sadd.s32 $0x2000, s5;
	s19 =	sshrl.u32 s4, $0x1;
	[dreg:$0xb] =	wrdreg s25  }
0xf: {  	[dreg:$0xc] =	wrdreg s26;
	s17 =	simm.s32 $0x5200;
	s22 =	simm.s32 $0x7A00  }
0x10: {  	s23 =	simm.s32 $0x8200;
	s7 =	smul.u32 $0x300, s6;
	s6 =	sadd.s32 s6, s5  }
0x11: {  	s24 =	simm.s32 $0x8A00;
	s25 =	simm.s32 $0x9200;
	s18 =	sadd.s32 $0x1C00, s6  }
0x12: {  	s26 =	simm.s32 $0x9A00;
	s20 =	sadd.s32 $0x1E00, s6;
	[dreg:$0x5] =	wrdreg s18  }
0x13: {  	s21 =	sadd.s32 $0x32000, s6;
	s0 =	sadd.s32 s0, s7;
	[dreg:$0x6] =	wrdreg s20  }
0x14: {  	s7 =	ssub.s32 s4, s19;
	[dreg:$0x7] =	wrdreg s21;
	s4 =	sadd.s32 $0x2100, s5  }
0x15: {  	v2 =	vlaneseq.u32;
	s5 =	sadd.s32 $0x2200, s5;
	s18 =	simm.s32 $0x5A00;
	s19 =	simm.s32 $0x6200  }
0x16: {  	vm0 =	vmmov $0xffff;
	v1 =	vshrl.u32 v2, $0x3;
	s20 =	simm.s32 $0x6A00;
	s21 =	simm.s32 $0x7200;
	[dreg:$0x4] =	wrdreg s0  }
0x17: {  	v0 =	vand.u32 $0x7, v2;
	v2 =	vor.u32 $0x8, v2;
	v1 =	vmul.u32 $0x8, v1;
	s6 =	smax.u32 s7, $0x1;
	s7 =	simm.s32 $0x200;
	s0 =	simm.s32 $0x1  }
.LBB2_1:
0x18: {  	s1 =	rddreg [dreg:$0x4]  }
0x19: {  	[tilespmem:s7], [sflag:$0x2] =	stream.linear.gather [hbm4b:s1+s2], $0xC000, $0x38;
	[tilespmem:$0xC200] =	vst v63  }
0x1a: {  	s10 =	rddreg [dreg:$0x3]  }
0x1b: {  	[tilespmem:s2], [sflag:$0x3] =	stream.linear.gather [hbm4b:s10+s2], $0x80, $0x38;
	[tilespmem:$0xC200] =	vst v63  }
0x1c: {  	_ =	swait.ge [sflag:s8], $0x80  }
0x1d: {  	s1 =	rddreg [dreg:$0x5];
	[sflag:s8] =	ssyncset.done $0x0  }
0x1e: {  	s10 =	rddreg [dreg:$0x8];
	[sflag:s8] =	ssyncadd.s32 $0xFFFFFF80  }
0x1f: {  	[tilespmem:s10], [sflag:$0x3] =	stream.linear.gather [hbm4b:s1+s2], $0x40, $0x38;
	[tilespmem:$0xC200] =	vst v63  }
0x20: {  	_ =	swait.ge [sflag:s8], $0x40  }
0x21: {  	s1 =	rddreg [dreg:$0x6];
	[sflag:s8] =	ssyncset.done $0x0  }
0x22: {  	s10 =	rddreg [dreg:$0x9];
	[sflag:s8] =	ssyncadd.s32 $0xFFFFFFC0  }
0x23: {  	[tilespmem:s10], [sflag:$0x3] =	stream.linear.gather [hbm4b:s1+s2], $0x40, $0x38;
	[tilespmem:$0xC200] =	vst v63  }
0x24: {  	_ =	swait.ge [sflag:s8], $0x40  }
0x25: {  	[sflag:s8] =	ssyncset.done $0x0  }
0x26: {  	[sflag:s8] =	ssyncadd.s32 $0xFFFFFFC0  }
0x27: {  	v3 =	vld [tilespmem:$0x80];
	_ =	sdelay $0x5  }
0x28: {  	v4 =	vld [tilespmem:$0x90]  }
0x29: {  	v5 =	vld [tilespmem:$0x100]  }
0x2a: {  	v3 =	vld.idx.msk [tilespmem:v3+s2+$0x0], $0xffff;
	_ =	sdelay $0x4  }
0x2b: {  	v55 =	vld [tilespmem:$0xA0];
	v3 =	vadd.s32 v3, v5  }
0x2c: {  	v56 =	vld [tilespmem:$0x110];
	[tilespmem:$0x180] =	vst v3  }
0x2d: {  	v3 =	vld.idx.msk [tilespmem:v4+s2+$0x0], $0xffff;
	_ =	sdelay $0x4  }
0x2e: {  	v57 =	vld [tilespmem:$0xB0];
	v3 =	vadd.s32 v3, v56  }
0x2f: {  	v58 =	vld [tilespmem:$0x120];
	[tilespmem:$0x190] =	vst v3  }
0x30: {  	v3 =	vld.idx.msk [tilespmem:v55+s2+$0x0], $0xffff;
	_ =	sdelay $0x4  }
0x31: {  	v3 =	vadd.s32 v3, v58  }
0x32: {  	v59 =	vld [tilespmem:$0x130];
	[tilespmem:$0x1A0] =	vst v3  }
0x33: {  	v3 =	vld.idx.msk [tilespmem:v57+s2+$0x0], $0xffff;
	_ =	sdelay $0x4  }
0x34: {  	s1 =	rddreg [dreg:$0x7];
	v3 =	vadd.s32 v3, v59  }
0x35: {  	s10 =	rddreg [dreg:$0xa];
	[tilespmem:$0x1B0] =	vst v3  }
0x36: {  	[hbm4b:s1+s2] =	stream.linear.scatter [tilespmem:s10], [sflag:$0x3], $0x40, $0x38;
	[tilespmem:$0xC200] =	vst v63  }
0x37: {  	_ =	swait.ge [sflag:s8], $0x40  }
0x38: {  	[sflag:s8] =	ssyncset.done $0x0  }
0x39: {  	[sflag:s8] =	ssyncadd.s32 $0xFFFFFFC0  }
0x3a: {  	_ =	swait.ge [sflag:s9], $0xC000  }
0x3b: {  	[sflag:s9] =	ssyncset.done $0x0  }
0x3c: {  	[sflag:s9] =	ssyncadd.s32 $0xFFFF4000  }
0x3d: {  	v3 =	vld [tilespmem:$0x180];
	_ =	sdelay $0x4  }
0x3e: {  	v60 =	vshrl.u32 v3, $0x3  }
0x3f: {  	v4 =	vmul.u32 $0x30, v60  }
0x40: {  	v3 =	vand.u32 $0x7, v3  }
0x41: {  	v3 =	vor.u32 v3, v4  }
0x42: {  	v4 =	vperm.xlane v3, v0;
	_ =	sdelay $0x1  }
0x43: {  	v4 =	vadd.s32 v1, v4;
	_ =	sdelay $0x3  }
0x44: {  	v3 =	vperm.xlane v3, v2  }
0x45: {  	[hbm4b:s3+s2] =	stream.indirect_vreg.scatter [tilespmem:s7], [sflag:$0x1], $0x80, v4, vm0, $0xb8;
	[tilespmem:$0xC200] =	vst v63  }
0x46: {  	s1 =	rddreg [dreg:$0xb];
	v3 =	vadd.s32 v1, v3  }
0x47: {  	[hbm4b:s4+s2] =	stream.indirect_vreg.scatter [tilespmem:s1], [sflag:$0x1], $0x80, v4, vm0, $0xb8;
	[tilespmem:$0xC200] =	vst v63  }
0x48: {  	s10 =	rddreg [dreg:$0xc]  }
0x49: {  	[hbm4b:s5+s2] =	stream.indirect_vreg.scatter [tilespmem:s10], [sflag:$0x1], $0x80, v4, vm0, $0xb8;
	[tilespmem:$0xC200] =	vst v63  }
0x4a: {  	s10 =	simm.s32 $0x1A00  }
0x4b: {  	[hbm4b:s3+s2] =	stream.indirect_vreg.scatter [tilespmem:s10], [sflag:$0x1], $0x80, v3, vm0, $0xb8;
	[tilespmem:$0xC200] =	vst v63  }
0x4c: {  	_ = 	snop  }
0x4d: {  	[hbm4b:s4+s2] =	stream.indirect_vreg.scatter [tilespmem:s11], [sflag:$0x1], $0x80, v3, vm0, $0xb8;
	[tilespmem:$0xC200] =	vst v63  }
0x4e: {  	_ = 	snop  }
0x4f: {  	[hbm4b:s5+s2] =	stream.indirect_vreg.scatter [tilespmem:s12], [sflag:$0x1], $0x80, v3, vm0, $0xb8;
	[tilespmem:$0xC200] =	vst v63  }
0x50: {  	v3 =	vld [tilespmem:$0x190];
	_ =	sdelay $0x4  }
0x51: {  	v61 =	vshrl.u32 v3, $0x3  }
0x52: {  	v4 =	vmul.u32 $0x30, v61  }
0x53: {  	v3 =	vand.u32 $0x7, v3  }
0x54: {  	v3 =	vor.u32 v3, v4  }
0x55: {  	v4 =	vperm.xlane v3, v0;
	_ =	sdelay $0x1  }
0x56: {  	v4 =	vadd.s32 v1, v4;
	_ =	sdelay $0x3  }
0x57: {  	v3 =	vperm.xlane v3, v2  }
0x58: {  	[hbm4b:s3+s2] =	stream.indirect_vreg.scatter [tilespmem:s13], [sflag:$0x1], $0x80, v4, vm0, $0xb8;
	[tilespmem:$0xC200] =	vst v63  }
0x59: {  	v3 =	vadd.s32 v1, v3  }
0x5a: {  	[hbm4b:s4+s2] =	stream.indirect_vreg.scatter [tilespmem:s14], [sflag:$0x1], $0x80, v4, vm0, $0xb8;
	[tilespmem:$0xC200] =	vst v63  }
0x5b: {  	_ = 	snop  }
0x5c: {  	[hbm4b:s5+s2] =	stream.indirect_vreg.scatter [tilespmem:s15], [sflag:$0x1], $0x80, v4, vm0, $0xb8;
	[tilespmem:$0xC200] =	vst v63  }
0x5d: {  	_ = 	snop  }
0x5e: {  	[hbm4b:s3+s2] =	stream.indirect_vreg.scatter [tilespmem:s16], [sflag:$0x1], $0x80, v3, vm0, $0xb8;
	[tilespmem:$0xC200] =	vst v63  }
0x5f: {  	_ = 	snop  }
0x60: {  	[hbm4b:s4+s2] =	stream.indirect_vreg.scatter [tilespmem:s17], [sflag:$0x1], $0x80, v3, vm0, $0xb8;
	[tilespmem:$0xC200] =	vst v63  }
0x61: {  	_ = 	snop  }
0x62: {  	[hbm4b:s5+s2] =	stream.indirect_vreg.scatter [tilespmem:s18], [sflag:$0x1], $0x80, v3, vm0, $0xb8;
	[tilespmem:$0xC200] =	vst v63  }
0x63: {  	v3 =	vld [tilespmem:$0x1A0];
	_ =	sdelay $0x4  }
0x64: {  	v62 =	vshrl.u32 v3, $0x3  }
0x65: {  	v4 =	vmul.u32 $0x30, v62  }
0x66: {  	v3 =	vand.u32 $0x7, v3  }
0x67: {  	v3 =	vor.u32 v3, v4  }
0x68: {  	v4 =	vperm.xlane v3, v0;
	_ =	sdelay $0x1  }
0x69: {  	v4 =	vadd.s32 v1, v4;
	_ =	sdelay $0x3  }
0x6a: {  	v3 =	vperm.xlane v3, v2  }
0x6b: {  	[hbm4b:s3+s2] =	stream.indirect_vreg.scatter [tilespmem:s19], [sflag:$0x1], $0x80, v4, vm0, $0xb8;
	[tilespmem:$0xC200] =	vst v63  }
0x6c: {  	v3 =	vadd.s32 v1, v3  }
0x6d: {  	[hbm4b:s4+s2] =	stream.indirect_vreg.scatter [tilespmem:s20], [sflag:$0x1], $0x80, v4, vm0, $0xb8;
	[tilespmem:$0xC200] =	vst v63  }
0x6e: {  	_ = 	snop  }
0x6f: {  	[hbm4b:s5+s2] =	stream.indirect_vreg.scatter [tilespmem:s21], [sflag:$0x1], $0x80, v4, vm0, $0xb8;
	[tilespmem:$0xC200] =	vst v63  }
0x70: {  	_ = 	snop  }
0x71: {  	[hbm4b:s3+s2] =	stream.indirect_vreg.scatter [tilespmem:s22], [sflag:$0x1], $0x80, v3, vm0, $0xb8;
	[tilespmem:$0xC200] =	vst v63  }
0x72: {  	_ = 	snop  }
0x73: {  	[hbm4b:s4+s2] =	stream.indirect_vreg.scatter [tilespmem:s23], [sflag:$0x1], $0x80, v3, vm0, $0xb8;
	[tilespmem:$0xC200] =	vst v63  }
0x74: {  	_ = 	snop  }
0x75: {  	[hbm4b:s5+s2] =	stream.indirect_vreg.scatter [tilespmem:s24], [sflag:$0x1], $0x80, v3, vm0, $0xb8;
	[tilespmem:$0xC200] =	vst v63  }
0x76: {  	v3 =	vld [tilespmem:$0x1B0];
	_ =	sdelay $0x4  }
0x77: {  	v63 =	vshrl.u32 v3, $0x3  }
0x78: {  	v4 =	vmul.u32 $0x30, v63  }
0x79: {  	v3 =	vand.u32 $0x7, v3  }
0x7a: {  	v3 =	vor.u32 v3, v4  }
0x7b: {  	v4 =	vperm.xlane v3, v0;
	_ =	sdelay $0x1  }
0x7c: {  	v4 =	vadd.s32 v1, v4;
	_ =	sdelay $0x3  }
0x7d: {  	v3 =	vperm.xlane v3, v2  }
0x7e: {  	[hbm4b:s3+s2] =	stream.indirect_vreg.scatter [tilespmem:s25], [sflag:$0x1], $0x80, v4, vm0, $0xb8;
	[tilespmem:$0xC200] =	vst v63  }
0x7f: {  	v3 =	vadd.s32 v1, v3  }
0x80: {  	[hbm4b:s4+s2] =	stream.indirect_vreg.scatter [tilespmem:s26], [sflag:$0x1], $0x80, v4, vm0, $0xb8;
	[tilespmem:$0xC200] =	vst v63  }
0x81: {  	_ = 	snop  }
0x82: {  	[hbm4b:s5+s2] =	stream.indirect_vreg.scatter [tilespmem:s28], [sflag:$0x1], $0x80, v4, vm0, $0xb8;
	[tilespmem:$0xC200] =	vst v63  }
0x83: {  	_ = 	snop  }
0x84: {  	[hbm4b:s3+s2] =	stream.indirect_vreg.scatter [tilespmem:s29], [sflag:$0x1], $0x80, v3, vm0, $0xb8;
	[tilespmem:$0xC200] =	vst v63  }
0x85: {  	p0 =	sne.s32 s6, $0x1  }
0x86: {  	[hbm4b:s4+s2] =	stream.indirect_vreg.scatter [tilespmem:s30], [sflag:$0x1], $0x80, v3, vm0, $0xb8;
	[tilespmem:$0xC200] =	vst v63  }
.Ltmp0:
0x87: {  	_ = 	snop;
	(pc) =	sbr.rel @p0 .LBB2_1-.Ltmp0, $4  }
0x88: {  	[hbm4b:s5+s2] =	stream.indirect_vreg.scatter [tilespmem:s31], [sflag:$0x1], $0x80, v3, vm0, $0xb8;
	[tilespmem:$0xC200] =	vst v63  }
0x89: {  	_ =	swait.ge [sflag:s0], $0xC000  }
0x8a: {  	[sflag:s0] =	ssyncset.done $0x0  }
0x8b: {  	s6 =	sadd.s32 $0xFFFFFFFF, s6;
	[sflag:s0] =	ssyncadd.s32 $0xFFFF4000  }
0x8c: {  	_ =	sfence.sel $0x180000  }
0x8d: {  	[bflag:$0x0] =	sbarrier.arrive $0xFFFF  }
0x8e: {  	_ =	strace $0x90000047  }
0x8f: {  	s0 =	stileid.u32;
	[bflag:$0x2] =	sbarrier.arrive $0xFFFF  }
0x90: {  	p0 =	sne.s32 s0, $0x0;
	s0 =	rddreg [dreg:$0x2]  }
0x91: {  	s0 =	sadd.s32 @!p0 $0x100000, s0  }
0x92: {  	[sflag:s0] =	ssyncadd.tile.s32 @!p0 $0x1;
	_ =	shalt  }
.Lfunc_end2:
_tile_overlayer_lowered:
.L_overlay_start_2:
0x93: {  	(tag) =	ssettag $0x2  }
0x94: {  	s0 =	rddreg [dreg:$0x0];
	s2 =	stileid.u32  }
0x95: {  	s1 =	rddreg [dreg:$0x1];
	p0 =	sne.s32 s2, $0x0  }
0x96: {  	s3 =	rddreg [dreg:$0x2];
	[bflag:$0x3] =	sbarrier.arrive $0xFFFF;
	s2 =	simm.s32 @!p0 $0x1C03  }
0x97: {  	[timem:s3], [sflag:s2] =	dma.local @!p0 [hbm:s0], s1  }
0x98: {  	s0 =	simm.s32 @!p0 $0x3  }
0x99: {  	_ =	swait.ge @!p0 [sflag:s0], s1  }
0x9a: {  	s1 =	ssub.s32 @!p0 $0x0, s1;
	[sflag:s0] =	ssyncset.done @!p0 $0x0  }
0x9b: {  	[sflag:s0] =	ssyncadd.s32 @!p0 s1  }
0x9c: {  	[bflag:$0x3] =	sbarrier.arrive $0xFFFF  }
0x9d: {  	_ =	shalt  }

// kernel: kernel.9.cloned.1.call-start
scs
__scs_entry_jumppad:
0x0: {  	(pc) =	sbr.rel $0x88, $3  }
0x1: {  	(tag) =	ssettag $0x0;
	lr =	simm.s32 $0x1  }
0x2: {  	[smem:$0x3F99] =	sst lr;
	_ =	strace $0xD0000000  }
0x3: {  	_ = 	snop  }
0x4: {  	_ = 	snop  }
0x5: {  	_ = 	snop  }
0x6: {  	_ = 	snop  }
0x7: {  	_ = 	snop  }
__scs_overlays_trampoline_lowered:
0x8: {  	[smem:$0x3FA8] =	sst s0  }
0x9: {  	[smem:$0x3FA9] =	sst s1  }
0xa: {  	[smem:$0x3FAA] =	sst s2  }
0xb: {  	[smem:$0x3FAB] =	sst s3  }
0xc: {  	[smem:$0x3FAC] =	sst s4  }
0xd: {  	[smem:$0x3FAD] =	sst s5  }
0xe: {  	[smem:$0x3FAE] =	sst s6  }
0xf: {  	[smem:$0x3FAF] =	sst s7  }
0x10: {  	[smem:$0x3FB0] =	sst s8  }
0x11: {  	[smem:$0x3FB1] =	sst s9;
	s0 =	simm.s32 @!p0 $0x0  }
0x12: {  	s1 =	sld [smem:$0x3F97];
	s0 =	simm.s32 @p0 $0x1  }
0x13: {  	[smem:$0x3FB2] =	sst s0;
	s0 =	simm.s32 @!p1 $0x0  }
0x14: {  	s2 =	sld [smem:$0x3F96];
	s0 =	simm.s32 @p1 $0x1  }
0x15: {  	[smem:$0x3FB3] =	sst s0;
	s0 =	simm.s32 @!p2 $0x0  }
0x16: {  	s3 =	sld [smem:$0x3FDB];
	s0 =	simm.s32 @p2 $0x1  }
0x17: {  	s4 =	simm.s32 $0x1BF5;
	[smem:$0x3FB5] =	sst s0  }
0x18: {  	s0 =	sld [smem:$0x3F98];
	_ =	swait.ge [sflag:s4], $0x0  }
0x19: {  	s7 =	sld [smem:$0x3F99]  }
0x1a: {  	s8 =	sadd.s32 $0xFFFFE003, lr  }
0x1b: {  	s9 =	sadd.s32 $0xFFFFFEF7, lr;
	s5 =	simm.s32 $0xFFFFFFFF;
	p2 =	slt.u32 s8, $0xFFFFF086  }
0x1c: {  	p1 =	slt.u32 s9, $0xF7A;
	s5 =	simm.s32 @!p2 $0x0  }
0x1d: {  	s5 =	simm.s32 @p1 $0x1;
	p0 =	seq.s32 s7, s2  }
0x1e: {  	s7 =	smul.u32 @!p0 $0xF7A, s2;
	p2 =	seq.s32 @!p0 s5, $0x0  }
0x1f: {  	s9 =	smul.u32 $0xF7A, s1;
	s8 =	simm.s32 @!p0 $0x1BF5;
	p2 =	por !p2, p0  }
0x20: {  	[sflag:s8] =	ssyncset.s32 @!p0 $0xFFFFF086;
	s6 =	sadd.s32 @!p0 s3, s7;
	s7 =	simm.s32 @!p0 $0x108  }
0x21: {  	s3 =	sadd.s32 s3, s9;
	s6 =	sadd.s32 @!p0 $0x88, s6;
	s7 =	simm.s32 @p2 $0x1082  }
0x22: {  	[simem:s7], [sflag:s8] =	dma.local @!p0 [hbm:s6], $0xF7A  }
0x23: {  	s9 =	sor.u32 $0xD0000000, s2;
	s6 =	simm.s32 $0x108;
	_ =	swait.ge @!p0 [sflag:s8], $0x0  }
0x24: {  	s3 =	sadd.s32 $0x88, s3;
	s6 =	simm.s32 @!p1 $0x1082;
	[sflag:s4] =	ssyncset.s32 $0xFFFFF086  }
0x25: {  	[simem:s6], [sflag:s4] =	dma.local [hbm:s3], $0xF7A  }
0x26: {  	[smem:$0x3F99] =	sst s1;
	(tag) =	ssettag s2;
	_ =	strace s9  }
0x27: {  	s1 =	sld [smem:$0x3FA9]  }
0x28: {  	s2 =	sld [smem:$0x3FAA]  }
0x29: {  	s4 =	sld [smem:$0x3FAC]  }
0x2a: {  	p0 =	seq.s32 s5, $0x0;
	s5 =	sld [smem:$0x3FAD]  }
0x2b: {  	s6 =	sld [smem:$0x3FAE]  }
0x2c: {  	s7 =	sld [smem:$0x3FAF]  }
0x2d: {  	s3 =	simm.s32 $0x108;
	s8 =	sld [smem:$0x3FB0]  }
0x2e: {  	s3 =	simm.s32 @!p0 $0x1082;
	s9 =	sld [smem:$0x3FB1]  }
0x2f: {  	lr =	sadd.s32 s0, s3;
	s0 =	sld [smem:$0x3FA8]  }
0x30: {  	s3 =	sld [smem:$0x3FAB]  }
0x31: {  	[smem:$0x3FB4] =	sst s10  }
0x32: {  	s10 =	sld [smem:$0x3FB2];
	_ =	sdelay $0x3  }
0x33: {  	p0 =	seq.s32 s10, $0x1;
	s10 =	sld [smem:$0x3FB4];
	_ =	sdelay $0x3  }
0x34: {  	[smem:$0x3FB4] =	sst s10  }
0x35: {  	s10 =	sld [smem:$0x3FB3];
	_ =	sdelay $0x3  }
0x36: {  	p1 =	seq.s32 s10, $0x1;
	s10 =	sld [smem:$0x3FB4];
	_ =	sdelay $0x3  }
0x37: {  	[smem:$0x3FB4] =	sst s10  }
0x38: {  	s10 =	sld [smem:$0x3FB5]  }
0x39: {  	_ = 	snop;
	(pc) =	sbr.ind lr, $3  }
0x3a: {  	_ = 	snop  }
0x3b: {  	_ = 	snop  }
0x3c: {  	p2 =	seq.s32 s10, $0x1;
	s10 =	sld [smem:$0x3FB4]  }
0x3d: {  	_ =	shalt  }
0x3e: {  	_ =	shalt  }
0x3f: {  	_ =	shalt  }
0x40: {  	_ =	shalt  }
0x41: {  	_ =	shalt  }
0x42: {  	_ =	shalt  }
0x43: {  	_ =	shalt  }
0x44: {  	_ =	shalt  }
0x45: {  	_ =	shalt  }
0x46: {  	_ =	shalt  }
0x47: {  	_ =	shalt  }
0x48: {  	_ =	shalt  }
0x49: {  	_ =	shalt  }
0x4a: {  	_ =	shalt  }
0x4b: {  	_ =	shalt  }
0x4c: {  	_ =	shalt  }
0x4d: {  	_ =	shalt  }
0x4e: {  	_ =	shalt  }
0x4f: {  	_ =	shalt  }
0x50: {  	_ =	shalt  }
0x51: {  	_ =	shalt  }
0x52: {  	_ =	shalt  }
0x53: {  	_ =	shalt  }
0x54: {  	_ =	shalt  }
0x55: {  	_ =	shalt  }
0x56: {  	_ =	shalt  }
0x57: {  	_ =	shalt  }
0x58: {  	_ =	shalt  }
0x59: {  	_ =	shalt  }
0x5a: {  	_ =	shalt  }
0x5b: {  	_ =	shalt  }
0x5c: {  	_ =	shalt  }
0x5d: {  	_ =	shalt  }
0x5e: {  	_ =	shalt  }
0x5f: {  	_ =	shalt  }
0x60: {  	_ =	shalt  }
0x61: {  	_ =	shalt  }
0x62: {  	_ =	shalt  }
0x63: {  	_ =	shalt  }
0x64: {  	_ =	shalt  }
0x65: {  	_ =	shalt  }
0x66: {  	_ =	shalt  }
0x67: {  	_ =	shalt  }
0x68: {  	_ =	shalt  }
0x69: {  	_ =	shalt  }
0x6a: {  	_ =	shalt  }
0x6b: {  	_ =	shalt  }
0x6c: {  	_ =	shalt  }
0x6d: {  	_ =	shalt  }
0x6e: {  	_ =	shalt  }
0x6f: {  	_ =	shalt  }
0x70: {  	_ =	shalt  }
0x71: {  	_ =	shalt  }
0x72: {  	_ =	shalt  }
0x73: {  	_ =	shalt  }
0x74: {  	_ =	shalt  }
0x75: {  	_ =	shalt  }
0x76: {  	_ =	shalt  }
0x77: {  	_ =	shalt  }
0x78: {  	_ =	shalt  }
0x79: {  	_ =	shalt  }
0x7a: {  	_ =	shalt  }
0x7b: {  	_ =	shalt  }
0x7c: {  	_ =	shalt  }
0x7d: {  	_ =	shalt  }
0x7e: {  	_ =	shalt  }
0x7f: {  	_ =	shalt  }
0x80: {  	_ =	shalt  }
0x81: {  	_ =	shalt  }
0x82: {  	_ =	shalt  }
0x83: {  	_ =	shalt  }
0x84: {  	_ =	shalt  }
0x85: {  	_ =	shalt  }
0x86: {  	_ =	shalt  }
0x87: {  	_ =	shalt  }
.Lfunc_end0:
.L_simem_size_0:
called_computation.1_lowered:
.L_overlay_start_0:
0x88: {  	s2 =	sld [smem:$0x3FD9]  }
0x89: {  	s3 =	sld [smem:$0x3FFE];
	_ =	sdelay $0x1  }
0x8a: {  	s1 =	srdreg.scid  }
0x8b: {  	s0 =	sand.u32 $0x1, s1  }
0x8c: {  	s17 =	sshll.u32 s0, $0xA;
	s2 =	sadd.s32 s3, s2  }
0x8d: {  	s2 =	sadd.s32 s2, s17  }
0x8e: {  	[smem:$0x3FC0] =	sst s2  }
0x8f: {  	_ = 	snop  }
0x90: {  	s2 =	sld [smem:$0x3FD0];
	(tm) =	ssettm $0x1  }
0x91: {  	s18 =	sld [smem:$0x3FFB];
	_ =	sdelay $0x3  }
0x92: {  	_ =	strace s18  }
0x93: {  	s3 =	sld [smem:$0x3FFC];
	_ =	sdelay $0x3  }
0x94: {  	_ =	strace s3  }
0x95: {  	s3 =	sld [smem:$0x3FFD];
	_ =	sdelay $0x3  }
0x96: {  	_ =	strace s3  }
0x97: {  	_ =	strace $0x8FFFFFFF  }
0x98: {  	s19 =	sld [smem:$0x3FDB];
	_ =	sdelay $0x1  }
0x99: {  	s4 =	simm.s32 $_scs_section_size  }
0x9a: {  	s5 =	simm.s32 $_size__tile_overlayer_lowered;
	s6 =	simm.s32 $_tile_overlayer_lowered  }
0x9b: {  	s22 =	simm.s32 $0x1BFF;
	s21 =	sshll.u32 s6, $0x1;
	s3 =	sadd.s32 s4, s19  }
0x9c: {  	s7 =	simm.s32 $0x0;
	s20 =	sshll.u32 s5, $0x1;
	s5 =	sadd.s32 s21, s3  }
0x9d: {  	[timem:s7], [sflag:s22] =	dma.local [hbm:s5], s20  }
0x9e: {  	_ =	swait.ge [sflag:s22], s20  }
0x9f: {  	s4 =	ssub.s32 $0x0, s20;
	[sflag:s22] =	ssyncset.done $0x0  }
0xa0: {  	[sflag:s22] =	ssyncadd.s32 s4;
	_ =	sdelay $0x1  }
0xa1: {  	s23 =	simm.s32 $0x1B8B  }
0xa2: {  	_ =	swait.ge [sflag:s23], $0x1  }
0xa3: {  	[sflag:s23] =	ssyncset.done $0x0  }
0xa4: {  	s25 =	simm.s32 $0x1B8E;
	s24 =	sld [smem:$0x3FFE];
	[sflag:s23] =	ssyncadd.s32 $0xFFFFFFFF  }
0xa5: {  	s26 =	simm.s32 $execute0_lowered;
	[smem:$0x3FD2] =	sst s25  }
0xa6: {  	s5 =	sshll.u32 s26, $0x1;
	_ =	strace $0x80000049;
	[dreg:$0x1] =	wrdreg $0xFFFFFFFF  }
0xa7: {  	s28 =	simm.s32 $_size_execute0_lowered;
	s3 =	sadd.s32 s3, s5;
	[dreg:$0x0] =	wrdreg $0x0  }
0xa8: {  	s5 =	sshll.u32 s28, $0x1;
	[dreg:$0x2] =	wrdreg s3  }
0xa9: {  	[dreg:$0x3] =	wrdreg s5  }
0xaa: {  	[dreg:$0x4] =	wrdreg $0xC0  }
0xab: {  	_ =	task [dreg:s7], $0x5FFFF  }
0xac: {  	[dreg:$0x1] =	wrdreg $0xFFFFFFFF  }
0xad: {  	[dreg:$0x0] =	wrdreg $0x60  }
0xae: {  	[dreg:$0x2] =	wrdreg s2  }
0xaf: {  	[dreg:$0x3] =	wrdreg s24  }
0xb0: {  	[dreg:$0x4] =	wrdreg $0x9  }
0xb1: {  	_ =	task.clear_ibuf [dreg:s7], $0x5FFFF;
	_ =	strace $0x90000049  }
0xb2: {  	s29 =	simm.s32 $0x9;
	_ =	strace $0x8000004B  }
0xb3: {  	_ =	swait.ge [sflag:s29], $0x1  }
0xb4: {  	[sflag:s29] =	ssyncadd.s32 $0xFFFFFFFF  }
0xb5: {  	_ =	strace $0x9000004B  }
0xb6: {  	_ =	sfence  }
0xb7: {  	s30 =	sld [smem:$0x0];
	_ =	sdelay $0x2  }
0xb8: {  	s31 =	sshll.u32 s1, $0xD;
	s1 =	sshrl.u32 s1, $0x2  }
0xb9: {  	s3 =	sand.u32 $0x4000, s31;
	s1 =	sadd.s32 s1, s30  }
0xba: {  	s0 =	sor.u32 s3, s0;
	s1 =	sshll.u32 s1, $0x11  }
0xbb: {  	s0 =	sor.u32 s1, s0  }
0xbc: {  	s0 =	sadd.s32 $0x8F2B, s0  }
0xbd: {  	[sflag:s0] =	ssyncadd.remote.s32 $0x1  }
0xbe: {  	_ =	sfence.sel $0xFFFF  }
0xbf: {  	[dreg:$0x0] =	wrdreg $0xFFFFFFFF;
	(pc) =	sbr.abs _section_cstart, $3  }
0xc0: {  	[dreg:$0x1] =	wrdreg $0xFFFFFFFF  }
0xc1: {  	_ =	task.clear_ibuf [dreg:s7], $0x2FFFF;
	_ =	strace $0x9FFFFFFF  }
0xc2: {  	(tm) =	ssettm $0x7FFFFFFF  }
0xc3: {  	_ =	shalt  }
tec
execute0_lowered:
.L_overlay_start_1:
0x0: {  	(tag) =	ssettag $0x1  }
0x1: {  	s1 =	srdreg.scid  }
0x2: {  	s2 =	rddreg [dreg:$0x0];
	s0 =	stileid.u32  }
0x3: {  	s4 =	rddreg [dreg:$0x1];
	s3 =	simm.s32 $0x0;
	s8 =	simm.s32 $0x80  }
0x4: {  	s26 =	simm.s32 $0x880;
	s9 =	simm.s32 $0x1080;
	s10 =	simm.s32 $0x1880  }
0x5: {  	s11 =	simm.s32 $0x2080;
	s12 =	simm.s32 $0x2880;
	s13 =	simm.s32 $0x3080  }
0x6: {  	s14 =	simm.s32 $0x3880;
	s15 =	simm.s32 $0x4080;
	s16 =	simm.s32 $0x4880  }
0x7: {  	s17 =	simm.s32 $0x5080;
	s18 =	simm.s32 $0x5880;
	s19 =	simm.s32 $0x6080  }
0x8: {  	s20 =	simm.s32 $0x6880;
	s21 =	simm.s32 $0x7080;
	s22 =	simm.s32 $0x7880  }
0x9: {  	s23 =	simm.s32 $0x8080;
	s24 =	simm.s32 $0x8880;
	s28 =	simm.s32 $0xA080  }
0xa: {  	s29 =	simm.s32 $0xA880;
	s30 =	simm.s32 $0xB080;
	s31 =	simm.s32 $0xB880  }
0xb: {  	s1 =	sand.u32 $0x1, s1;
	s5 =	sshll.u32 s0, $0x4;
	[smem:$0x7FF] =	sst s3  }
0xc: {  	s6 =	sshll.u32 s1, $0x3;
	s1 =	ssub.s32 $0x2, s1;
	_ =	strace $0x8000004A  }
0xd: {  	[dreg:$0x5] =	wrdreg s26;
	s26 =	simm.s32 $0x9880;
	s5 =	sor.u32 s6, s5  }
0xe: {  	s7 =	sshrl.u32 s1, $0x1;
	s6 =	smul.u32 $0x300, s5;
	s5 =	sadd.s32 s5, s4  }
0xf: {  	s1 =	ssub.s32 s1, s7;
	s7 =	simm.s32 $0x2;
	s25 =	sadd.s32 $0x32000, s5  }
0x10: {  	v2 =	vlaneseq.u32;
	s5 =	sadd.s32 $0x200, s2;
	s6 =	sadd.s32 s6, s4;
	[dreg:$0x3] =	wrdreg s25  }
0x11: {  	vm0 =	vmmov $0xffff;
	v1 =	vshrl.u32 v2, $0x3;
	s4 =	sadd.s32 $0x100, s2;
	s25 =	simm.s32 $0x9080;
	s6 =	sadd.s32 $0x1A00, s6  }
0x12: {  	v0 =	vand.u32 $0x7, v2;
	v2 =	vor.u32 $0x8, v2;
	v1 =	vmul.u32 $0x8, v1;
	[dreg:$0x4] =	wrdreg s6;
	s6 =	smax.u32 s1, $0x1;
	s1 =	simm.s32 $0x1  }
.LBB2_1:
0x13: {  	s0 =	rddreg [dreg:$0x3]  }
0x14: {  	[tilespmem:s3], [sflag:$0x2] =	stream.linear.gather [hbm4b:s0+s3], $0x40, $0x38;
	[tilespmem:$0xC080] =	vst v63  }
0x15: {  	_ =	swait.ge [sflag:s7], $0x40  }
0x16: {  	[sflag:s7] =	ssyncset.done $0x0  }
0x17: {  	[sflag:s7] =	ssyncadd.s32 $0xFFFFFFC0  }
0x18: {  	v3 =	vld [tilespmem:$0x0];
	_ =	sdelay $0x4  }
0x19: {  	v4 =	vshrl.u32 v3, $0x3  }
0x1a: {  	v4 =	vmul.u32 $0x30, v4  }
0x1b: {  	v3 =	vand.u32 $0x7, v3  }
0x1c: {  	v3 =	vor.u32 v3, v4  }
0x1d: {  	v4 =	vperm.xlane v3, v0;
	_ =	sdelay $0x1  }
0x1e: {  	v4 =	vadd.s32 v1, v4;
	_ =	sdelay $0x3  }
0x1f: {  	v3 =	vperm.xlane v3, v2  }
0x20: {  	[tilespmem:s8], [sflag:$0x1] =	stream.indirect_vreg.gather [hbm4b:s2+s3], $0x80, v4, vm0, $0xb8;
	[tilespmem:$0xC080] =	vst v63  }
0x21: {  	s0 =	rddreg [dreg:$0x5];
	v3 =	vadd.s32 v1, v3  }
0x22: {  	[tilespmem:s0], [sflag:$0x1] =	stream.indirect_vreg.gather [hbm4b:s4+s3], $0x80, v4, vm0, $0xb8;
	[tilespmem:$0xC080] =	vst v63  }
0x23: {  	_ = 	snop  }
0x24: {  	[tilespmem:s9], [sflag:$0x1] =	stream.indirect_vreg.gather [hbm4b:s5+s3], $0x80, v4, vm0, $0xb8;
	[tilespmem:$0xC080] =	vst v63  }
0x25: {  	_ = 	snop  }
0x26: {  	[tilespmem:s10], [sflag:$0x1] =	stream.indirect_vreg.gather [hbm4b:s2+s3], $0x80, v3, vm0, $0xb8;
	[tilespmem:$0xC080] =	vst v63  }
0x27: {  	_ = 	snop  }
0x28: {  	[tilespmem:s11], [sflag:$0x1] =	stream.indirect_vreg.gather [hbm4b:s4+s3], $0x80, v3, vm0, $0xb8;
	[tilespmem:$0xC080] =	vst v63  }
0x29: {  	_ = 	snop  }
0x2a: {  	[tilespmem:s12], [sflag:$0x1] =	stream.indirect_vreg.gather [hbm4b:s5+s3], $0x80, v3, vm0, $0xb8;
	[tilespmem:$0xC080] =	vst v63  }
0x2b: {  	v3 =	vld [tilespmem:$0x10];
	_ =	sdelay $0x4  }
0x2c: {  	v61 =	vshrl.u32 v3, $0x3  }
0x2d: {  	v4 =	vmul.u32 $0x30, v61  }
0x2e: {  	v3 =	vand.u32 $0x7, v3  }
0x2f: {  	v3 =	vor.u32 v3, v4  }
0x30: {  	v4 =	vperm.xlane v3, v0;
	_ =	sdelay $0x1  }
0x31: {  	v4 =	vadd.s32 v1, v4;
	_ =	sdelay $0x3  }
0x32: {  	v3 =	vperm.xlane v3, v2  }
0x33: {  	[tilespmem:s13], [sflag:$0x1] =	stream.indirect_vreg.gather [hbm4b:s2+s3], $0x80, v4, vm0, $0xb8;
	[tilespmem:$0xC080] =	vst v63  }
0x34: {  	v3 =	vadd.s32 v1, v3  }
0x35: {  	[tilespmem:s14], [sflag:$0x1] =	stream.indirect_vreg.gather [hbm4b:s4+s3], $0x80, v4, vm0, $0xb8;
	[tilespmem:$0xC080] =	vst v63  }
0x36: {  	_ = 	snop  }
0x37: {  	[tilespmem:s15], [sflag:$0x1] =	stream.indirect_vreg.gather [hbm4b:s5+s3], $0x80, v4, vm0, $0xb8;
	[tilespmem:$0xC080] =	vst v63  }
0x38: {  	_ = 	snop  }
0x39: {  	[tilespmem:s16], [sflag:$0x1] =	stream.indirect_vreg.gather [hbm4b:s2+s3], $0x80, v3, vm0, $0xb8;
	[tilespmem:$0xC080] =	vst v63  }
0x3a: {  	_ = 	snop  }
0x3b: {  	[tilespmem:s17], [sflag:$0x1] =	stream.indirect_vreg.gather [hbm4b:s4+s3], $0x80, v3, vm0, $0xb8;
	[tilespmem:$0xC080] =	vst v63  }
0x3c: {  	_ = 	snop  }
0x3d: {  	[tilespmem:s18], [sflag:$0x1] =	stream.indirect_vreg.gather [hbm4b:s5+s3], $0x80, v3, vm0, $0xb8;
	[tilespmem:$0xC080] =	vst v63  }
0x3e: {  	v3 =	vld [tilespmem:$0x20];
	_ =	sdelay $0x4  }
0x3f: {  	v62 =	vshrl.u32 v3, $0x3  }
0x40: {  	v4 =	vmul.u32 $0x30, v62  }
0x41: {  	v3 =	vand.u32 $0x7, v3  }
0x42: {  	v3 =	vor.u32 v3, v4  }
0x43: {  	v4 =	vperm.xlane v3, v0;
	_ =	sdelay $0x1  }
0x44: {  	v4 =	vadd.s32 v1, v4;
	_ =	sdelay $0x3  }
0x45: {  	v3 =	vperm.xlane v3, v2  }
0x46: {  	[tilespmem:s19], [sflag:$0x1] =	stream.indirect_vreg.gather [hbm4b:s2+s3], $0x80, v4, vm0, $0xb8;
	[tilespmem:$0xC080] =	vst v63  }
0x47: {  	v3 =	vadd.s32 v1, v3  }
0x48: {  	[tilespmem:s20], [sflag:$0x1] =	stream.indirect_vreg.gather [hbm4b:s4+s3], $0x80, v4, vm0, $0xb8;
	[tilespmem:$0xC080] =	vst v63  }
0x49: {  	_ = 	snop  }
0x4a: {  	[tilespmem:s21], [sflag:$0x1] =	stream.indirect_vreg.gather [hbm4b:s5+s3], $0x80, v4, vm0, $0xb8;
	[tilespmem:$0xC080] =	vst v63  }
0x4b: {  	_ = 	snop  }
0x4c: {  	[tilespmem:s22], [sflag:$0x1] =	stream.indirect_vreg.gather [hbm4b:s2+s3], $0x80, v3, vm0, $0xb8;
	[tilespmem:$0xC080] =	vst v63  }
0x4d: {  	_ = 	snop  }
0x4e: {  	[tilespmem:s23], [sflag:$0x1] =	stream.indirect_vreg.gather [hbm4b:s4+s3], $0x80, v3, vm0, $0xb8;
	[tilespmem:$0xC080] =	vst v63  }
0x4f: {  	_ = 	snop  }
0x50: {  	[tilespmem:s24], [sflag:$0x1] =	stream.indirect_vreg.gather [hbm4b:s5+s3], $0x80, v3, vm0, $0xb8;
	[tilespmem:$0xC080] =	vst v63  }
0x51: {  	v3 =	vld [tilespmem:$0x30];
	_ =	sdelay $0x4  }
0x52: {  	v63 =	vshrl.u32 v3, $0x3  }
0x53: {  	v4 =	vmul.u32 $0x30, v63  }
0x54: {  	v3 =	vand.u32 $0x7, v3  }
0x55: {  	v3 =	vor.u32 v3, v4  }
0x56: {  	v4 =	vperm.xlane v3, v0;
	_ =	sdelay $0x1  }
0x57: {  	v4 =	vadd.s32 v1, v4;
	_ =	sdelay $0x3  }
0x58: {  	v3 =	vperm.xlane v3, v2  }
0x59: {  	[tilespmem:s25], [sflag:$0x1] =	stream.indirect_vreg.gather [hbm4b:s2+s3], $0x80, v4, vm0, $0xb8;
	[tilespmem:$0xC080] =	vst v63  }
0x5a: {  	v3 =	vadd.s32 v1, v3  }
0x5b: {  	[tilespmem:s26], [sflag:$0x1] =	stream.indirect_vreg.gather [hbm4b:s4+s3], $0x80, v4, vm0, $0xb8;
	[tilespmem:$0xC080] =	vst v63  }
0x5c: {  	_ = 	snop  }
0x5d: {  	[tilespmem:s28], [sflag:$0x1] =	stream.indirect_vreg.gather [hbm4b:s5+s3], $0x80, v4, vm0, $0xb8;
	[tilespmem:$0xC080] =	vst v63  }
0x5e: {  	_ = 	snop  }
0x5f: {  	[tilespmem:s29], [sflag:$0x1] =	stream.indirect_vreg.gather [hbm4b:s2+s3], $0x80, v3, vm0, $0xb8;
	[tilespmem:$0xC080] =	vst v63  }
0x60: {  	_ = 	snop  }
0x61: {  	[tilespmem:s30], [sflag:$0x1] =	stream.indirect_vreg.gather [hbm4b:s4+s3], $0x80, v3, vm0, $0xb8;
	[tilespmem:$0xC080] =	vst v63  }
0x62: {  	_ = 	snop  }
0x63: {  	[tilespmem:s31], [sflag:$0x1] =	stream.indirect_vreg.gather [hbm4b:s5+s3], $0x80, v3, vm0, $0xb8;
	[tilespmem:$0xC080] =	vst v63  }
0x64: {  	_ =	swait.ge [sflag:s1], $0xC000  }
0x65: {  	p0 =	sne.s32 s6, $0x1;
	[sflag:s1] =	ssyncset.done $0x0  }
.Ltmp0:
0x66: {  	s0 =	rddreg [dreg:$0x4];
	[sflag:s1] =	ssyncadd.s32 $0xFFFF4000;
	(pc) =	sbr.rel @p0 .LBB2_1-.Ltmp0, $4  }
0x67: {  	[hbm4b:s0+s3] =	stream.linear.scatter [tilespmem:s8], [sflag:$0x2], $0xC000, $0x38;
	[tilespmem:$0xC080] =	vst v63  }
0x68: {  	_ =	swait.ge [sflag:s7], $0xC000  }
0x69: {  	[sflag:s7] =	ssyncset.done $0x0  }
0x6a: {  	s6 =	sadd.s32 $0xFFFFFFFF, s6;
	[sflag:s7] =	ssyncadd.s32 $0xFFFF4000  }
0x6b: {  	_ =	sfence.sel $0x180000  }
0x6c: {  	[bflag:$0x0] =	sbarrier.arrive $0xFFFF  }
0x6d: {  	_ =	strace $0x9000004A  }
0x6e: {  	s0 =	stileid.u32;
	[bflag:$0x2] =	sbarrier.arrive $0xFFFF  }
0x6f: {  	p0 =	sne.s32 s0, $0x0;
	s0 =	rddreg [dreg:$0x2]  }
0x70: {  	s0 =	sadd.s32 @!p0 $0x100000, s0  }
0x71: {  	[sflag:s0] =	ssyncadd.tile.s32 @!p0 $0x1;
	_ =	shalt  }
.Lfunc_end2:
_tile_overlayer_lowered:
.L_overlay_start_2:
0x72: {  	(tag) =	ssettag $0x2  }
0x73: {  	s0 =	rddreg [dreg:$0x0];
	s2 =	stileid.u32  }
0x74: {  	s1 =	rddreg [dreg:$0x1];
	p0 =	sne.s32 s2, $0x0  }
0x75: {  	s3 =	rddreg [dreg:$0x2];
	[bflag:$0x3] =	sbarrier.arrive $0xFFFF;
	s2 =	simm.s32 @!p0 $0x1C02  }
0x76: {  	[timem:s3], [sflag:s2] =	dma.local @!p0 [hbm:s0], s1  }
0x77: {  	s0 =	simm.s32 @!p0 $0x2  }
0x78: {  	_ =	swait.ge @!p0 [sflag:s0], s1  }
0x79: {  	s1 =	ssub.s32 @!p0 $0x0, s1;
	[sflag:s0] =	ssyncset.done @!p0 $0x0  }
0x7a: {  	[sflag:s0] =	ssyncadd.s32 @!p0 s1  }
0x7b: {  	[bflag:$0x3] =	sbarrier.arrive $0xFFFF  }
0x7c: {  	_ =	shalt  }

</sc_bundles>
